<compile_context>
chip_gen: v7x
topology: tpu7x:2x2x1
jax: 0.10.2.dev20260603
libtpu: 0.0.44.dev20260713+nightly
codegen_flags: <defaults>
</compile_context>

<pallas_src>
import functools
import jax
from jax.experimental.compute_on import compute_on
import jax.numpy as jnp
from jax import lax
from jax.experimental import pallas as pl
from jax.experimental.pallas import tpu as pltpu
from jax.experimental.pallas import tpu_sc as plsc

B, S, E = 4, 4096, 64
BETA_ENTROPY = 0.1
TEMP_LO, TEMP_HI = 0.5, 1.5
EPS = 1e-8
N_TOKENS = B * S

N_SC = 512
N_TC = N_TOKENS - N_SC
TC_BLOCK = 7936
TC_GRID = N_TC // TC_BLOCK

NW = 32
TOK_PER_W = N_SC // NW
CHUNK = 16
N_CHUNKS = TOK_PER_W // CHUNK

LN2 = 0.6931471805599453
_LN_COEFFS = (1.0243828631e-02, -5.3267477734e-02, 1.3198966240e-01,
              -2.2396689943e-01, 3.2751171370e-01, -4.9933394898e-01,
              9.9997024330e-01, 2.2159764866e-07)


def _vln(x):
    xi = plsc.bitcast(x, jnp.int32)
    ef = ((xi >> 23) - 127).astype(jnp.float32)
    u = plsc.bitcast((xi & 0x7FFFFF) | 0x3F800000, jnp.float32) - 1.0
    p = jnp.full((16,), _LN_COEFFS[0], dtype=jnp.float32)
    for c in _LN_COEFFS[1:]:
        p = p * u + c
    return ef * LN2 + p


def _sc_body(tg_hbm, sg_hbm, t16_hbm, out_hbm, tg_v, sg_v, t_v, stage_v):
    wid = lax.axis_index("s") * 2 + lax.axis_index("c")
    base = N_TC + wid * TOK_PER_W
    pltpu.sync_copy(t16_hbm, t_v)

    inv_t = 1.0 / t_v[...]
    lane = jax.lax.iota(jnp.int32, 16)
    zeros = jnp.zeros((16,), jnp.float32)

    acc_kl = zeros
    acc_ent = zeros
    for c in range(N_CHUNKS):
        pltpu.sync_copy(tg_hbm.at[pl.ds(base + c * CHUNK, CHUNK), :], tg_v)
        pltpu.sync_copy(sg_hbm.at[pl.ds(base + c * CHUNK, CHUNK), :], sg_v)

        def group_step(g, acc):
            a_kl, a_ent = acc
            tok_idx = g * 16 + lane

            def expert_step(i, cr):
                vsa, vsb, vnum, vent = cr
                for k in range(8):
                    e_idx = jnp.full((16,), k, jnp.int32) + i * 8
                    tv = plsc.load_gather(tg_v, [tok_idx, e_idx])
                    sv = plsc.load_gather(sg_v, [tok_idx, e_idx])
                    tl = _vln(tv + EPS)
                    sl = _vln(sv + EPS)
                    ea = jnp.exp(tl * inv_t)
                    eb = jnp.exp(sl * inv_t)
                    vsa = vsa + ea
                    vsb = vsb + eb
                    vnum = vnum + ea * (tl - sl)
                    vent = vent + sv * sl
                return (vsa, vsb, vnum, vent)

            vsa, vsb, vnum, vent = lax.fori_loop(
                0, E // 8, expert_step, (zeros, zeros, zeros, zeros))
            vkl = vnum * inv_t / vsa - _vln(vsa) + _vln(vsb)
            return (a_kl + vkl, a_ent + vent)

        acc_kl, acc_ent = lax.fori_loop(
            0, CHUNK // 16, group_step, (acc_kl, acc_ent))

    stage_v[pl.ds(0, 16)] = acc_kl
    stage_v[pl.ds(16, 16)] = acc_ent
    for k in range(2, 8):
        stage_v[pl.ds(16 * k, 16)] = zeros
    pltpu.sync_copy(stage_v, out_hbm.at[wid])


@functools.partial(
    pl.kernel,
    out_type=jax.ShapeDtypeStruct((NW, 128), jnp.float32),
    mesh=plsc.VectorSubcoreMesh(core_axis_name="c", subcore_axis_name="s"),
    scratch_types=[
        pltpu.VMEM((CHUNK, E), jnp.float32),
        pltpu.VMEM((CHUNK, E), jnp.float32),
        pltpu.VMEM((16,), jnp.float32),
        pltpu.VMEM((128,), jnp.float32),
    ],
    compiler_params=pltpu.CompilerParams(needs_layout_passes=False, skip_device_barrier=True),
)
def _sc_loss(tg_hbm, sg_hbm, t16_hbm, out_hbm, tg_v, sg_v, t_v, stage_v):
    _sc_body(tg_hbm, sg_hbm, t16_hbm, out_hbm, tg_v, sg_v, t_v, stage_v)


def _tc_kernel(temp_ref, tg_ref, sg_ref, out_ref, acc_ref):
    i = pl.program_id(0)

    @pl.when(i == 0)
    def _init():
        acc_ref[0] = 0.0
        acc_ref[1] = 0.0

    T = jnp.clip(temp_ref[0], TEMP_LO, TEMP_HI)
    inv_T = 1.0 / T

    tg = tg_ref[...]
    sg = sg_ref[...]

    t_log = jnp.log(tg + EPS)
    s_log = jnp.log(sg + EPS)
    ea = jnp.exp(t_log * inv_T)
    eb = jnp.exp(s_log * inv_T)

    sa = jnp.sum(ea, axis=-1)
    sb = jnp.sum(eb, axis=-1)
    num = jnp.sum(ea * (t_log - s_log), axis=-1) * inv_T

    kl_rows = num / sa - jnp.log(sa) + jnp.log(sb)
    acc_ref[0] += jnp.sum(kl_rows)
    acc_ref[1] += jnp.sum(sg * s_log)

    @pl.when(i == TC_GRID - 1)
    def _finish():
        out_ref[0] = acc_ref[0]
        out_ref[1] = acc_ref[1]


def _tc_loss(tg, sg, temp):
    return pl.pallas_call(
        _tc_kernel,
        grid=(TC_GRID,),
        in_specs=[
            pl.BlockSpec(memory_space=pltpu.SMEM),
            pl.BlockSpec((TC_BLOCK, E), lambda i: (i, 0)),
            pl.BlockSpec((TC_BLOCK, E), lambda i: (i, 0)),
        ],
        out_specs=pl.BlockSpec(memory_space=pltpu.SMEM),
        out_shape=jax.ShapeDtypeStruct((2,), jnp.float32),
        scratch_shapes=[pltpu.SMEM((2,), jnp.float32)],
    )(temp, tg, sg)


def kernel(teacher_gates, student_gates, teacher_hidden_states, student_hidden_states, input_ids, temperature):
    tg = teacher_gates.reshape(N_TOKENS, E)
    sg = student_gates.reshape(N_TOKENS, E)
    T = jnp.clip(temperature, TEMP_LO, TEMP_HI)
    t16 = jnp.broadcast_to(T, (16,)).astype(jnp.float32)
    sc_part = _sc_loss(tg, sg, t16)
    tc_part = _tc_loss(tg, sg, temperature.reshape(1))
    kl_sum = jnp.sum(sc_part[:, :16]) + tc_part[0]
    ent_sum = jnp.sum(sc_part[:, 16:32]) + tc_part[1]
    inv_n = 1.0 / N_TOKENS
    return kl_sum * inv_n * (T * T) + BETA_ENTROPY * ent_sum * inv_n

# --- scband reference (transcript-rebuilt; emitter-appended) ---
"""Pipeline reference for scband-expert-distillation-loss-17102559773160 (READ-ONLY COPY).

The authoritative reference and input builder live on the scoring server;
editing this copy changes nothing except your own understanding.
"""

import jax, jax.numpy as jnp
import numpy as np

B, S, E, D = 4, 4096, 64, 1024
BETA_ENTROPY = 0.1
TEMP_LO, TEMP_HI = 0.5, 1.5
EPS = 1e-8


def setup_inputs(seed: int = 0) -> dict:
    key = jax.random.key(seed)
    k1, k2, k3, k4, k5 = jax.random.split(key, 5)
    # gates are probability distributions over experts per token
    teacher_gates = jax.nn.softmax(jax.random.normal(k1, (B, S, E), dtype=jnp.float32), axis=-1)
    student_gates = jax.nn.softmax(jax.random.normal(k2, (B, S, E), dtype=jnp.float32), axis=-1)
    teacher_hidden_states = jax.random.normal(k3, (B, S, D), dtype=jnp.float32)
    student_hidden_states = jax.random.normal(k4, (B, S, D), dtype=jnp.float32)
    input_ids = jax.random.randint(k5, (B, S), 0, 32000, dtype=jnp.int64 if jax.config.jax_enable_x64 else jnp.int32)
    temperature = jnp.array(1.0, dtype=jnp.float32)  # learned nn.Parameter
    return {
        "teacher_gates": teacher_gates,
        "student_gates": student_gates,
        "teacher_hidden_states": teacher_hidden_states,
        "student_hidden_states": student_hidden_states,
        "input_ids": input_ids,
        "temperature": temperature,
    }


def reference(teacher_gates, student_gates, teacher_hidden_states, student_hidden_states, input_ids, temperature):
    # Method B: temperature-scaled gate-distribution distillation
    # (Method A disabled: it requires live teacher/student torch modules and
    #  python-loop Monte Carlo expert sampling, which is host-side control flow.)
    T = jnp.clip(temperature, TEMP_LO, TEMP_HI)
    t_log = jnp.log(teacher_gates + EPS)
    s_log = jnp.log(student_gates + EPS)
    teacher_soft = jax.nn.softmax(t_log / T, axis=-1)            # [B,S,E]
    student_log_soft = jax.nn.log_softmax(s_log / T, axis=-1)    # [B,S,E]
    # KL(teacher || student) per token, batchmean over all tokens, scaled by T^2
    kl = jnp.sum(teacher_soft * (jnp.log(teacher_soft + EPS) - student_log_soft), axis=-1)
    kl_loss = jnp.mean(kl) * (T ** 2)
    # entropy regularization on student gate distribution
    student_entropy = jnp.mean(-jnp.sum(student_gates * s_log, axis=-1))
    method_b_total_loss = kl_loss - BETA_ENTROPY * student_entropy
    return method_b_total_loss


if False:  # reference __main__ guard neutralized (emitter)
    out = reference(**setup_inputs())
    print(out)

if __name__ == "__main__":
    import jax
    _d = setup_inputs()
    print(jax.jit(kernel)(*tuple(_d.values())))

</pallas_src>

<mosaic_0001>
#map = affine_map<(d0, d1) -> (0, 0)>
#map1 = affine_map<(d0, d1) -> (0)>
module attributes {stable_mosaic.version = 14 : i64} {
  func.func @_sc_loss(%arg0: i32, %arg1: i32, %arg2: memref<16384x64xf32, #tpu.memory_space<hbm>>, %arg3: memref<16384x64xf32, #tpu.memory_space<hbm>>, %arg4: memref<16xf32, #tpu.memory_space<hbm>>, %arg5: memref<32x128xf32, #tpu.memory_space<hbm>>, %arg6: memref<16x64xf32, #tpu.memory_space<vmem>>, %arg7: memref<16x64xf32, #tpu.memory_space<vmem>>, %arg8: memref<16xf32, #tpu.memory_space<vmem>>, %arg9: memref<128xf32, #tpu.memory_space<vmem>>) attributes {dimension_semantics = [#tpu.dimension_semantics<core_parallel>, #tpu.dimension_semantics<subcore_parallel>], iteration_bounds = array<i64: 2, 16>, scalar_prefetch = 0 : i64, scratch_operands = 4 : i64, tpu.core_type = #tpu.core_type<sc_vector_subcore>, window_params = [{transform_indices = #map}, {transform_indices = #map}, {transform_indices = #map1}, {transform_indices = #map}]} {
    %mul3A = arith.constant 2 : i32
    %mul3A_0 = arith.muli %arg1, %mul3A : i32
    %add3A = arith.addi %mul3A_0, %arg0 : i32
    %mul3A_1 = arith.constant 16 : i32
    %mul3A_2 = arith.muli %add3A, %mul3A_1 : i32
    %add3A_3 = arith.constant 15872 : i32
    %add3A_4 = arith.addi %add3A_3, %mul3A_2 : i32
    "tpu.region"() ({
      %run_scoped3A = tpu.sem_alloc : memref<!tpu.dma_semaphore, #tpu.memory_space<semaphore_mem>>
      tpu.enqueue_dma source(%arg4 : memref<16xf32, #tpu.memory_space<hbm>>) target(%arg8 : memref<16xf32, #tpu.memory_space<vmem>>) target_semaphore(%run_scoped3A : memref<!tpu.dma_semaphore, #tpu.memory_space<semaphore_mem>>)
      tpu.wait_dma2 semaphore(%run_scoped3A : memref<!tpu.dma_semaphore, #tpu.memory_space<semaphore_mem>>) src(%arg4 : memref<16xf32, #tpu.memory_space<hbm>>) dst(%arg8 : memref<16xf32, #tpu.memory_space<vmem>>)
      tpu.yield
    }) : () -> ()
    %get3A = arith.constant 0 : index
    %get3A_5 = tpu.vector_load %arg8[%get3A] {strides = array<i32>} : memref<16xf32, #tpu.memory_space<vmem>>, vector<16xf32>,
    %div3A = arith.constant 1.000000e+00 : f32
    %div3A_6 = vector.broadcast %div3A : f32 to vector<16xf32>
    %div3A_7 = arith.divf %div3A_6, %get3A_5 : vector<16xf32>
    %iota3A = tpu.iota {dimensions = array<i32: 0>} : vector<16xi32>
    %broadcast_in_dim3A = arith.constant 0.000000e+00 : f32
    %broadcast_in_dim3A_8 = vector.broadcast %broadcast_in_dim3A : f32 to vector<16xf32>
    %add3A_9 = arith.constant 0 : i32
    %add3A_10 = arith.addi %add3A_4, %add3A_9 : i32
    "tpu.region"() ({
      %run_scoped3A = tpu.sem_alloc : memref<!tpu.dma_semaphore, #tpu.memory_space<semaphore_mem>>
      %dma_start3A = arith.constant 0 : i32
      %dma_start3A_143 = tpu.memref_slice %arg2[%add3A_10, %dma_start3A] : memref<16384x64xf32, #tpu.memory_space<hbm>> -> memref<16x64xf32, #tpu.memory_space<hbm>>
      %dma_start3A_144 = arith.constant 0 : i32
      %dma_start3A_145 = tpu.memref_slice %arg2[%add3A_10, %dma_start3A_144] : memref<16384x64xf32, #tpu.memory_space<hbm>> -> memref<16x64xf32, #tpu.memory_space<hbm>>
      tpu.enqueue_dma source(%dma_start3A_145 : memref<16x64xf32, #tpu.memory_space<hbm>>) target(%arg6 : memref<16x64xf32, #tpu.memory_space<vmem>>) target_semaphore(%run_scoped3A : memref<!tpu.dma_semaphore, #tpu.memory_space<semaphore_mem>>)
      %dma_wait3A = arith.constant 0 : i32
      %dma_wait3A_146 = tpu.memref_slice %arg2[%add3A_10, %dma_wait3A] : memref<16384x64xf32, #tpu.memory_space<hbm>> -> memref<16x64xf32, #tpu.memory_space<hbm>>
      %dma_wait3A_147 = arith.constant 0 : i32
      %dma_wait3A_148 = tpu.memref_slice %arg2[%add3A_10, %dma_wait3A_147] : memref<16384x64xf32, #tpu.memory_space<hbm>> -> memref<16x64xf32, #tpu.memory_space<hbm>>
      tpu.wait_dma2 semaphore(%run_scoped3A : memref<!tpu.dma_semaphore, #tpu.memory_space<semaphore_mem>>) src(%dma_wait3A_148 : memref<16x64xf32, #tpu.memory_space<hbm>>) dst(%arg6 : memref<16x64xf32, #tpu.memory_space<vmem>>)
      tpu.yield
    }) : () -> ()
    %add3A_11 = arith.constant 0 : i32
    %add3A_12 = arith.addi %add3A_4, %add3A_11 : i32
    "tpu.region"() ({
      %run_scoped3A = tpu.sem_alloc : memref<!tpu.dma_semaphore, #tpu.memory_space<semaphore_mem>>
      %dma_start3A = arith.constant 0 : i32
      %dma_start3A_143 = tpu.memref_slice %arg3[%add3A_12, %dma_start3A] : memref<16384x64xf32, #tpu.memory_space<hbm>> -> memref<16x64xf32, #tpu.memory_space<hbm>>
      %dma_start3A_144 = arith.constant 0 : i32
      %dma_start3A_145 = tpu.memref_slice %arg3[%add3A_12, %dma_start3A_144] : memref<16384x64xf32, #tpu.memory_space<hbm>> -> memref<16x64xf32, #tpu.memory_space<hbm>>
      tpu.enqueue_dma source(%dma_start3A_145 : memref<16x64xf32, #tpu.memory_space<hbm>>) target(%arg7 : memref<16x64xf32, #tpu.memory_space<vmem>>) target_semaphore(%run_scoped3A : memref<!tpu.dma_semaphore, #tpu.memory_space<semaphore_mem>>)
      %dma_wait3A = arith.constant 0 : i32
      %dma_wait3A_146 = tpu.memref_slice %arg3[%add3A_12, %dma_wait3A] : memref<16384x64xf32, #tpu.memory_space<hbm>> -> memref<16x64xf32, #tpu.memory_space<hbm>>
      %dma_wait3A_147 = arith.constant 0 : i32
      %dma_wait3A_148 = tpu.memref_slice %arg3[%add3A_12, %dma_wait3A_147] : memref<16384x64xf32, #tpu.memory_space<hbm>> -> memref<16x64xf32, #tpu.memory_space<hbm>>
      tpu.wait_dma2 semaphore(%run_scoped3A : memref<!tpu.dma_semaphore, #tpu.memory_space<semaphore_mem>>) src(%dma_wait3A_148 : memref<16x64xf32, #tpu.memory_space<hbm>>) dst(%arg7 : memref<16x64xf32, #tpu.memory_space<vmem>>)
      tpu.yield
    }) : () -> ()
    %scan3A = arith.constant 0 : i32
    %mul3A_13 = arith.constant 16 : i32
    %mul3A_14 = arith.muli %scan3A, %mul3A_13 : i32
    %add3A_15 = vector.broadcast %mul3A_14 : i32 to vector<16xi32>
    %add3A_16 = arith.addi %add3A_15, %iota3A : vector<16xi32>
    %scan3A_17 = arith.constant 0 : i32
    %scan3A_18 = arith.constant 8 : i32
    %scan3A_19 = arith.addi %scan3A_17, %scan3A_18 : i32
    %scan3A_20 = arith.constant 1 : i32
    %scan3A_21:4 = scf.for %scan3A_143 = %scan3A_17 to %scan3A_19 step %scan3A_20 iter_args(%scan3A_144 = %broadcast_in_dim3A_8, %scan3A_145 = %broadcast_in_dim3A_8, %scan3A_146 = %broadcast_in_dim3A_8, %scan3A_147 = %broadcast_in_dim3A_8) -> (vector<16xf32>, vector<16xf32>, vector<16xf32>, vector<16xf32>)  : i32 {
      %broadcast_in_dim3A_148 = arith.constant 0 : i32
      %broadcast_in_dim3A_149 = vector.broadcast %broadcast_in_dim3A_148 : i32 to vector<16xi32>
      %mul3A_150 = arith.constant 8 : i32
      %mul3A_151 = arith.muli %scan3A_143, %mul3A_150 : i32
      %add3A_152 = vector.broadcast %mul3A_151 : i32 to vector<16xi32>
      %add3A_153 = arith.addi %broadcast_in_dim3A_149, %add3A_152 : vector<16xi32>
      %gather3A = tpu.vector_load_idx %arg6[%add3A_16, %add3A_153] : memref<16x64xf32, #tpu.memory_space<vmem>>[vector<16xi32>, vector<16xi32>], vector<16xf32>,
      %gather3A_154 = tpu.vector_load_idx %arg7[%add3A_16, %add3A_153] : memref<16x64xf32, #tpu.memory_space<vmem>>[vector<16xi32>, vector<16xi32>], vector<16xf32>,
      %add3A_155 = arith.constant 9.99999993E-9 : f32
      %add3A_156 = vector.broadcast %add3A_155 : f32 to vector<16xf32>
      %add3A_157 = arith.addf %gather3A, %add3A_156 : vector<16xf32>
      %bitcast3A_158 = vector.bitcast %add3A_157 : vector<16xf32> to vector<16xi32>
      %shift_right_arithmetic3A_159 = arith.constant 23 : i32
      %shift_right_arithmetic3A_160 = vector.broadcast %shift_right_arithmetic3A_159 : i32 to vector<16xi32>
      %shift_right_arithmetic3A_161 = arith.shrsi %bitcast3A_158, %shift_right_arithmetic3A_160 : vector<16xi32>
      %sub3A_162 = arith.constant 127 : i32
      %sub3A_163 = vector.broadcast %sub3A_162 : i32 to vector<16xi32>
      %sub3A_164 = arith.subi %shift_right_arithmetic3A_161, %sub3A_163 : vector<16xi32>
      %convert_element_type3A_165 = arith.sitofp %sub3A_164 : vector<16xi32> to vector<16xf32>
      %and3A_166 = arith.constant 8388607 : i32
      %and3A_167 = vector.broadcast %and3A_166 : i32 to vector<16xi32>
      %and3A_168 = arith.andi %bitcast3A_158, %and3A_167 : vector<16xi32>
      %or3A_169 = arith.constant 1065353216 : i32
      %or3A_170 = vector.broadcast %or3A_169 : i32 to vector<16xi32>
      %or3A_171 = arith.ori %and3A_168, %or3A_170 : vector<16xi32>
      %bitcast3A_172 = vector.bitcast %or3A_171 : vector<16xi32> to vector<16xf32>
      %sub3A_173 = arith.constant 1.000000e+00 : f32
      %sub3A_174 = vector.broadcast %sub3A_173 : f32 to vector<16xf32>
      %sub3A_175 = arith.subf %bitcast3A_172, %sub3A_174 : vector<16xf32>
      %broadcast_in_dim3A_176 = arith.constant 0.0102438284 : f32
      %broadcast_in_dim3A_177 = vector.broadcast %broadcast_in_dim3A_176 : f32 to vector<16xf32>
      %mul3A_178 = arith.mulf %broadcast_in_dim3A_177, %sub3A_175 : vector<16xf32>
      %add3A_179 = arith.constant -0.0532674789 : f32
      %add3A_180 = vector.broadcast %add3A_179 : f32 to vector<16xf32>
      %add3A_181 = arith.addf %mul3A_178, %add3A_180 : vector<16xf32>
      %mul3A_182 = arith.mulf %add3A_181, %sub3A_175 : vector<16xf32>
      %add3A_183 = arith.constant 0.131989658 : f32
      %add3A_184 = vector.broadcast %add3A_183 : f32 to vector<16xf32>
      %add3A_185 = arith.addf %mul3A_182, %add3A_184 : vector<16xf32>
      %mul3A_186 = arith.mulf %add3A_185, %sub3A_175 : vector<16xf32>
      %add3A_187 = arith.constant -0.223966897 : f32
      %add3A_188 = vector.broadcast %add3A_187 : f32 to vector<16xf32>
      %add3A_189 = arith.addf %mul3A_186, %add3A_188 : vector<16xf32>
      %mul3A_190 = arith.mulf %add3A_189, %sub3A_175 : vector<16xf32>
      %add3A_191 = arith.constant 0.327511728 : f32
      %add3A_192 = vector.broadcast %add3A_191 : f32 to vector<16xf32>
      %add3A_193 = arith.addf %mul3A_190, %add3A_192 : vector<16xf32>
      %mul3A_194 = arith.mulf %add3A_193, %sub3A_175 : vector<16xf32>
      %add3A_195 = arith.constant -0.499333948 : f32
      %add3A_196 = vector.broadcast %add3A_195 : f32 to vector<16xf32>
      %add3A_197 = arith.addf %mul3A_194, %add3A_196 : vector<16xf32>
      %mul3A_198 = arith.mulf %add3A_197, %sub3A_175 : vector<16xf32>
      %add3A_199 = arith.constant 0.999970257 : f32
      %add3A_200 = vector.broadcast %add3A_199 : f32 to vector<16xf32>
      %add3A_201 = arith.addf %mul3A_198, %add3A_200 : vector<16xf32>
      %mul3A_202 = arith.mulf %add3A_201, %sub3A_175 : vector<16xf32>
      %add3A_203 = arith.constant 2.21597645E-7 : f32
      %add3A_204 = vector.broadcast %add3A_203 : f32 to vector<16xf32>
      %add3A_205 = arith.addf %mul3A_202, %add3A_204 : vector<16xf32>
      %mul3A_206 = arith.constant 0.693147182 : f32
      %mul3A_207 = vector.broadcast %mul3A_206 : f32 to vector<16xf32>
      %mul3A_208 = arith.mulf %convert_element_type3A_165, %mul3A_207 : vector<16xf32>
      %add3A_209 = arith.addf %mul3A_208, %add3A_205 : vector<16xf32>
      %add3A_210 = arith.constant 9.99999993E-9 : f32
      %add3A_211 = vector.broadcast %add3A_210 : f32 to vector<16xf32>
      %add3A_212 = arith.addf %gather3A_154, %add3A_211 : vector<16xf32>
      %bitcast3A_213 = vector.bitcast %add3A_212 : vector<16xf32> to vector<16xi32>
      %shift_right_arithmetic3A_214 = arith.constant 23 : i32
      %shift_right_arithmetic3A_215 = vector.broadcast %shift_right_arithmetic3A_214 : i32 to vector<16xi32>
      %shift_right_arithmetic3A_216 = arith.shrsi %bitcast3A_213, %shift_right_arithmetic3A_215 : vector<16xi32>
      %sub3A_217 = arith.constant 127 : i32
      %sub3A_218 = vector.broadcast %sub3A_217 : i32 to vector<16xi32>
      %sub3A_219 = arith.subi %shift_right_arithmetic3A_216, %sub3A_218 : vector<16xi32>
      %convert_element_type3A_220 = arith.sitofp %sub3A_219 : vector<16xi32> to vector<16xf32>
      %and3A_221 = arith.constant 8388607 : i32
      %and3A_222 = vector.broadcast %and3A_221 : i32 to vector<16xi32>
      %and3A_223 = arith.andi %bitcast3A_213, %and3A_222 : vector<16xi32>
      %or3A_224 = arith.constant 1065353216 : i32
      %or3A_225 = vector.broadcast %or3A_224 : i32 to vector<16xi32>
      %or3A_226 = arith.ori %and3A_223, %or3A_225 : vector<16xi32>
      %bitcast3A_227 = vector.bitcast %or3A_226 : vector<16xi32> to vector<16xf32>
      %sub3A_228 = arith.constant 1.000000e+00 : f32
      %sub3A_229 = vector.broadcast %sub3A_228 : f32 to vector<16xf32>
      %sub3A_230 = arith.subf %bitcast3A_227, %sub3A_229 : vector<16xf32>
      %broadcast_in_dim3A_231 = arith.constant 0.0102438284 : f32
      %broadcast_in_dim3A_232 = vector.broadcast %broadcast_in_dim3A_231 : f32 to vector<16xf32>
      %mul3A_233 = arith.mulf %broadcast_in_dim3A_232, %sub3A_230 : vector<16xf32>
      %add3A_234 = arith.constant -0.0532674789 : f32
      %add3A_235 = vector.broadcast %add3A_234 : f32 to vector<16xf32>
      %add3A_236 = arith.addf %mul3A_233, %add3A_235 : vector<16xf32>
      %mul3A_237 = arith.mulf %add3A_236, %sub3A_230 : vector<16xf32>
      %add3A_238 = arith.constant 0.131989658 : f32
      %add3A_239 = vector.broadcast %add3A_238 : f32 to vector<16xf32>
      %add3A_240 = arith.addf %mul3A_237, %add3A_239 : vector<16xf32>
      %mul3A_241 = arith.mulf %add3A_240, %sub3A_230 : vector<16xf32>
      %add3A_242 = arith.constant -0.223966897 : f32
      %add3A_243 = vector.broadcast %add3A_242 : f32 to vector<16xf32>
      %add3A_244 = arith.addf %mul3A_241, %add3A_243 : vector<16xf32>
      %mul3A_245 = arith.mulf %add3A_244, %sub3A_230 : vector<16xf32>
      %add3A_246 = arith.constant 0.327511728 : f32
      %add3A_247 = vector.broadcast %add3A_246 : f32 to vector<16xf32>
      %add3A_248 = arith.addf %mul3A_245, %add3A_247 : vector<16xf32>
      %mul3A_249 = arith.mulf %add3A_248, %sub3A_230 : vector<16xf32>
      %add3A_250 = arith.constant -0.499333948 : f32
      %add3A_251 = vector.broadcast %add3A_250 : f32 to vector<16xf32>
      %add3A_252 = arith.addf %mul3A_249, %add3A_251 : vector<16xf32>
      %mul3A_253 = arith.mulf %add3A_252, %sub3A_230 : vector<16xf32>
      %add3A_254 = arith.constant 0.999970257 : f32
      %add3A_255 = vector.broadcast %add3A_254 : f32 to vector<16xf32>
      %add3A_256 = arith.addf %mul3A_253, %add3A_255 : vector<16xf32>
      %mul3A_257 = arith.mulf %add3A_256, %sub3A_230 : vector<16xf32>
      %add3A_258 = arith.constant 2.21597645E-7 : f32
      %add3A_259 = vector.broadcast %add3A_258 : f32 to vector<16xf32>
      %add3A_260 = arith.addf %mul3A_257, %add3A_259 : vector<16xf32>
      %mul3A_261 = arith.constant 0.693147182 : f32
      %mul3A_262 = vector.broadcast %mul3A_261 : f32 to vector<16xf32>
      %mul3A_263 = arith.mulf %convert_element_type3A_220, %mul3A_262 : vector<16xf32>
      %add3A_264 = arith.addf %mul3A_263, %add3A_260 : vector<16xf32>
      %mul3A_265 = arith.mulf %add3A_209, %div3A_7 : vector<16xf32>
      %exp3A = math.exp %mul3A_265 : vector<16xf32>
      %mul3A_266 = arith.mulf %add3A_264, %div3A_7 : vector<16xf32>
      %exp3A_267 = math.exp %mul3A_266 : vector<16xf32>
      %add3A_268 = arith.addf %scan3A_144, %exp3A : vector<16xf32>
      %add3A_269 = arith.addf %scan3A_145, %exp3A_267 : vector<16xf32>
      %sub3A_270 = arith.subf %add3A_209, %add3A_264 : vector<16xf32>
      %mul3A_271 = arith.mulf %exp3A, %sub3A_270 : vector<16xf32>
      %add3A_272 = arith.addf %scan3A_146, %mul3A_271 : vector<16xf32>
      %mul3A_273 = arith.mulf %gather3A_154, %add3A_264 : vector<16xf32>
      %add3A_274 = arith.addf %scan3A_147, %mul3A_273 : vector<16xf32>
      %broadcast_in_dim3A_275 = arith.constant 1 : i32
      %broadcast_in_dim3A_276 = vector.broadcast %broadcast_in_dim3A_275 : i32 to vector<16xi32>
      %mul3A_277 = arith.constant 8 : i32
      %mul3A_278 = arith.muli %scan3A_143, %mul3A_277 : i32
      %add3A_279 = vector.broadcast %mul3A_278 : i32 to vector<16xi32>
      %add3A_280 = arith.addi %broadcast_in_dim3A_276, %add3A_279 : vector<16xi32>
      %gather3A_281 = tpu.vector_load_idx %arg6[%add3A_16, %add3A_280] : memref<16x64xf32, #tpu.memory_space<vmem>>[vector<16xi32>, vector<16xi32>], vector<16xf32>,
      %gather3A_282 = tpu.vector_load_idx %arg7[%add3A_16, %add3A_280] : memref<16x64xf32, #tpu.memory_space<vmem>>[vector<16xi32>, vector<16xi32>], vector<16xf32>,
      %add3A_283 = arith.constant 9.99999993E-9 : f32
      %add3A_284 = vector.broadcast %add3A_283 : f32 to vector<16xf32>
      %add3A_285 = arith.addf %gather3A_281, %add3A_284 : vector<16xf32>
      %bitcast3A_286 = vector.bitcast %add3A_285 : vector<16xf32> to vector<16xi32>
      %shift_right_arithmetic3A_287 = arith.constant 23 : i32
      %shift_right_arithmetic3A_288 = vector.broadcast %shift_right_arithmetic3A_287 : i32 to vector<16xi32>
      %shift_right_arithmetic3A_289 = arith.shrsi %bitcast3A_286, %shift_right_arithmetic3A_288 : vector<16xi32>
      %sub3A_290 = arith.constant 127 : i32
      %sub3A_291 = vector.broadcast %sub3A_290 : i32 to vector<16xi32>
      %sub3A_292 = arith.subi %shift_right_arithmetic3A_289, %sub3A_291 : vector<16xi32>
      %convert_element_type3A_293 = arith.sitofp %sub3A_292 : vector<16xi32> to vector<16xf32>
      %and3A_294 = arith.constant 8388607 : i32
      %and3A_295 = vector.broadcast %and3A_294 : i32 to vector<16xi32>
      %and3A_296 = arith.andi %bitcast3A_286, %and3A_295 : vector<16xi32>
      %or3A_297 = arith.constant 1065353216 : i32
      %or3A_298 = vector.broadcast %or3A_297 : i32 to vector<16xi32>
      %or3A_299 = arith.ori %and3A_296, %or3A_298 : vector<16xi32>
      %bitcast3A_300 = vector.bitcast %or3A_299 : vector<16xi32> to vector<16xf32>
      %sub3A_301 = arith.constant 1.000000e+00 : f32
      %sub3A_302 = vector.broadcast %sub3A_301 : f32 to vector<16xf32>
      %sub3A_303 = arith.subf %bitcast3A_300, %sub3A_302 : vector<16xf32>
      %broadcast_in_dim3A_304 = arith.constant 0.0102438284 : f32
      %broadcast_in_dim3A_305 = vector.broadcast %broadcast_in_dim3A_304 : f32 to vector<16xf32>
      %mul3A_306 = arith.mulf %broadcast_in_dim3A_305, %sub3A_303 : vector<16xf32>
      %add3A_307 = arith.constant -0.0532674789 : f32
      %add3A_308 = vector.broadcast %add3A_307 : f32 to vector<16xf32>
      %add3A_309 = arith.addf %mul3A_306, %add3A_308 : vector<16xf32>
      %mul3A_310 = arith.mulf %add3A_309, %sub3A_303 : vector<16xf32>
      %add3A_311 = arith.constant 0.131989658 : f32
      %add3A_312 = vector.broadcast %add3A_311 : f32 to vector<16xf32>
      %add3A_313 = arith.addf %mul3A_310, %add3A_312 : vector<16xf32>
      %mul3A_314 = arith.mulf %add3A_313, %sub3A_303 : vector<16xf32>
      %add3A_315 = arith.constant -0.223966897 : f32
      %add3A_316 = vector.broadcast %add3A_315 : f32 to vector<16xf32>
      %add3A_317 = arith.addf %mul3A_314, %add3A_316 : vector<16xf32>
      %mul3A_318 = arith.mulf %add3A_317, %sub3A_303 : vector<16xf32>
      %add3A_319 = arith.constant 0.327511728 : f32
      %add3A_320 = vector.broadcast %add3A_319 : f32 to vector<16xf32>
      %add3A_321 = arith.addf %mul3A_318, %add3A_320 : vector<16xf32>
      %mul3A_322 = arith.mulf %add3A_321, %sub3A_303 : vector<16xf32>
      %add3A_323 = arith.constant -0.499333948 : f32
      %add3A_324 = vector.broadcast %add3A_323 : f32 to vector<16xf32>
      %add3A_325 = arith.addf %mul3A_322, %add3A_324 : vector<16xf32>
      %mul3A_326 = arith.mulf %add3A_325, %sub3A_303 : vector<16xf32>
      %add3A_327 = arith.constant 0.999970257 : f32
      %add3A_328 = vector.broadcast %add3A_327 : f32 to vector<16xf32>
      %add3A_329 = arith.addf %mul3A_326, %add3A_328 : vector<16xf32>
      %mul3A_330 = arith.mulf %add3A_329, %sub3A_303 : vector<16xf32>
      %add3A_331 = arith.constant 2.21597645E-7 : f32
      %add3A_332 = vector.broadcast %add3A_331 : f32 to vector<16xf32>
      %add3A_333 = arith.addf %mul3A_330, %add3A_332 : vector<16xf32>
      %mul3A_334 = arith.constant 0.693147182 : f32
      %mul3A_335 = vector.broadcast %mul3A_334 : f32 to vector<16xf32>
      %mul3A_336 = arith.mulf %convert_element_type3A_293, %mul3A_335 : vector<16xf32>
      %add3A_337 = arith.addf %mul3A_336, %add3A_333 : vector<16xf32>
      %add3A_338 = arith.constant 9.99999993E-9 : f32
      %add3A_339 = vector.broadcast %add3A_338 : f32 to vector<16xf32>
      %add3A_340 = arith.addf %gather3A_282, %add3A_339 : vector<16xf32>
      %bitcast3A_341 = vector.bitcast %add3A_340 : vector<16xf32> to vector<16xi32>
      %shift_right_arithmetic3A_342 = arith.constant 23 : i32
      %shift_right_arithmetic3A_343 = vector.broadcast %shift_right_arithmetic3A_342 : i32 to vector<16xi32>
      %shift_right_arithmetic3A_344 = arith.shrsi %bitcast3A_341, %shift_right_arithmetic3A_343 : vector<16xi32>
      %sub3A_345 = arith.constant 127 : i32
      %sub3A_346 = vector.broadcast %sub3A_345 : i32 to vector<16xi32>
      %sub3A_347 = arith.subi %shift_right_arithmetic3A_344, %sub3A_346 : vector<16xi32>
      %convert_element_type3A_348 = arith.sitofp %sub3A_347 : vector<16xi32> to vector<16xf32>
      %and3A_349 = arith.constant 8388607 : i32
      %and3A_350 = vector.broadcast %and3A_349 : i32 to vector<16xi32>
      %and3A_351 = arith.andi %bitcast3A_341, %and3A_350 : vector<16xi32>
      %or3A_352 = arith.constant 1065353216 : i32
      %or3A_353 = vector.broadcast %or3A_352 : i32 to vector<16xi32>
      %or3A_354 = arith.ori %and3A_351, %or3A_353 : vector<16xi32>
      %bitcast3A_355 = vector.bitcast %or3A_354 : vector<16xi32> to vector<16xf32>
      %sub3A_356 = arith.constant 1.000000e+00 : f32
      %sub3A_357 = vector.broadcast %sub3A_356 : f32 to vector<16xf32>
      %sub3A_358 = arith.subf %bitcast3A_355, %sub3A_357 : vector<16xf32>
      %broadcast_in_dim3A_359 = arith.constant 0.0102438284 : f32
      %broadcast_in_dim3A_360 = vector.broadcast %broadcast_in_dim3A_359 : f32 to vector<16xf32>
      %mul3A_361 = arith.mulf %broadcast_in_dim3A_360, %sub3A_358 : vector<16xf32>
      %add3A_362 = arith.constant -0.0532674789 : f32
      %add3A_363 = vector.broadcast %add3A_362 : f32 to vector<16xf32>
      %add3A_364 = arith.addf %mul3A_361, %add3A_363 : vector<16xf32>
      %mul3A_365 = arith.mulf %add3A_364, %sub3A_358 : vector<16xf32>
      %add3A_366 = arith.constant 0.131989658 : f32
      %add3A_367 = vector.broadcast %add3A_366 : f32 to vector<16xf32>
      %add3A_368 = arith.addf %mul3A_365, %add3A_367 : vector<16xf32>
      %mul3A_369 = arith.mulf %add3A_368, %sub3A_358 : vector<16xf32>
      %add3A_370 = arith.constant -0.223966897 : f32
      %add3A_371 = vector.broadcast %add3A_370 : f32 to vector<16xf32>
      %add3A_372 = arith.addf %mul3A_369, %add3A_371 : vector<16xf32>
      %mul3A_373 = arith.mulf %add3A_372, %sub3A_358 : vector<16xf32>
      %add3A_374 = arith.constant 0.327511728 : f32
      %add3A_375 = vector.broadcast %add3A_374 : f32 to vector<16xf32>
      %add3A_376 = arith.addf %mul3A_373, %add3A_375 : vector<16xf32>
      %mul3A_377 = arith.mulf %add3A_376, %sub3A_358 : vector<16xf32>
      %add3A_378 = arith.constant -0.499333948 : f32
      %add3A_379 = vector.broadcast %add3A_378 : f32 to vector<16xf32>
      %add3A_380 = arith.addf %mul3A_377, %add3A_379 : vector<16xf32>
      %mul3A_381 = arith.mulf %add3A_380, %sub3A_358 : vector<16xf32>
      %add3A_382 = arith.constant 0.999970257 : f32
      %add3A_383 = vector.broadcast %add3A_382 : f32 to vector<16xf32>
      %add3A_384 = arith.addf %mul3A_381, %add3A_383 : vector<16xf32>
      %mul3A_385 = arith.mulf %add3A_384, %sub3A_358 : vector<16xf32>
      %add3A_386 = arith.constant 2.21597645E-7 : f32
      %add3A_387 = vector.broadcast %add3A_386 : f32 to vector<16xf32>
      %add3A_388 = arith.addf %mul3A_385, %add3A_387 : vector<16xf32>
      %mul3A_389 = arith.constant 0.693147182 : f32
      %mul3A_390 = vector.broadcast %mul3A_389 : f32 to vector<16xf32>
      %mul3A_391 = arith.mulf %convert_element_type3A_348, %mul3A_390 : vector<16xf32>
      %add3A_392 = arith.addf %mul3A_391, %add3A_388 : vector<16xf32>
      %mul3A_393 = arith.mulf %add3A_337, %div3A_7 : vector<16xf32>
      %exp3A_394 = math.exp %mul3A_393 : vector<16xf32>
      %mul3A_395 = arith.mulf %add3A_392, %div3A_7 : vector<16xf32>
      %exp3A_396 = math.exp %mul3A_395 : vector<16xf32>
      %add3A_397 = arith.addf %add3A_268, %exp3A_394 : vector<16xf32>
      %add3A_398 = arith.addf %add3A_269, %exp3A_396 : vector<16xf32>
      %sub3A_399 = arith.subf %add3A_337, %add3A_392 : vector<16xf32>
      %mul3A_400 = arith.mulf %exp3A_394, %sub3A_399 : vector<16xf32>
      %add3A_401 = arith.addf %add3A_272, %mul3A_400 : vector<16xf32>
      %mul3A_402 = arith.mulf %gather3A_282, %add3A_392 : vector<16xf32>
      %add3A_403 = arith.addf %add3A_274, %mul3A_402 : vector<16xf32>
      %broadcast_in_dim3A_404 = arith.constant 2 : i32
      %broadcast_in_dim3A_405 = vector.broadcast %broadcast_in_dim3A_404 : i32 to vector<16xi32>
      %mul3A_406 = arith.constant 8 : i32
      %mul3A_407 = arith.muli %scan3A_143, %mul3A_406 : i32
      %add3A_408 = vector.broadcast %mul3A_407 : i32 to vector<16xi32>
      %add3A_409 = arith.addi %broadcast_in_dim3A_405, %add3A_408 : vector<16xi32>
      %gather3A_410 = tpu.vector_load_idx %arg6[%add3A_16, %add3A_409] : memref<16x64xf32, #tpu.memory_space<vmem>>[vector<16xi32>, vector<16xi32>], vector<16xf32>,
      %gather3A_411 = tpu.vector_load_idx %arg7[%add3A_16, %add3A_409] : memref<16x64xf32, #tpu.memory_space<vmem>>[vector<16xi32>, vector<16xi32>], vector<16xf32>,
      %add3A_412 = arith.constant 9.99999993E-9 : f32
      %add3A_413 = vector.broadcast %add3A_412 : f32 to vector<16xf32>
      %add3A_414 = arith.addf %gather3A_410, %add3A_413 : vector<16xf32>
      %bitcast3A_415 = vector.bitcast %add3A_414 : vector<16xf32> to vector<16xi32>
      %shift_right_arithmetic3A_416 = arith.constant 23 : i32
      %shift_right_arithmetic3A_417 = vector.broadcast %shift_right_arithmetic3A_416 : i32 to vector<16xi32>
      %shift_right_arithmetic3A_418 = arith.shrsi %bitcast3A_415, %shift_right_arithmetic3A_417 : vector<16xi32>
      %sub3A_419 = arith.constant 127 : i32
      %sub3A_420 = vector.broadcast %sub3A_419 : i32 to vector<16xi32>
      %sub3A_421 = arith.subi %shift_right_arithmetic3A_418, %sub3A_420 : vector<16xi32>
      %convert_element_type3A_422 = arith.sitofp %sub3A_421 : vector<16xi32> to vector<16xf32>
      %and3A_423 = arith.constant 8388607 : i32
      %and3A_424 = vector.broadcast %and3A_423 : i32 to vector<16xi32>
      %and3A_425 = arith.andi %bitcast3A_415, %and3A_424 : vector<16xi32>
      %or3A_426 = arith.constant 1065353216 : i32
      %or3A_427 = vector.broadcast %or3A_426 : i32 to vector<16xi32>
      %or3A_428 = arith.ori %and3A_425, %or3A_427 : vector<16xi32>
      %bitcast3A_429 = vector.bitcast %or3A_428 : vector<16xi32> to vector<16xf32>
      %sub3A_430 = arith.constant 1.000000e+00 : f32
      %sub3A_431 = vector.broadcast %sub3A_430 : f32 to vector<16xf32>
      %sub3A_432 = arith.subf %bitcast3A_429, %sub3A_431 : vector<16xf32>
      %broadcast_in_dim3A_433 = arith.constant 0.0102438284 : f32
      %broadcast_in_dim3A_434 = vector.broadcast %broadcast_in_dim3A_433 : f32 to vector<16xf32>
      %mul3A_435 = arith.mulf %broadcast_in_dim3A_434, %sub3A_432 : vector<16xf32>
      %add3A_436 = arith.constant -0.0532674789 : f32
      %add3A_437 = vector.broadcast %add3A_436 : f32 to vector<16xf32>
      %add3A_438 = arith.addf %mul3A_435, %add3A_437 : vector<16xf32>
      %mul3A_439 = arith.mulf %add3A_438, %sub3A_432 : vector<16xf32>
      %add3A_440 = arith.constant 0.131989658 : f32
      %add3A_441 = vector.broadcast %add3A_440 : f32 to vector<16xf32>
      %add3A_442 = arith.addf %mul3A_439, %add3A_441 : vector<16xf32>
      %mul3A_443 = arith.mulf %add3A_442, %sub3A_432 : vector<16xf32>
      %add3A_444 = arith.constant -0.223966897 : f32
      %add3A_445 = vector.broadcast %add3A_444 : f32 to vector<16xf32>
      %add3A_446 = arith.addf %mul3A_443, %add3A_445 : vector<16xf32>
      %mul3A_447 = arith.mulf %add3A_446, %sub3A_432 : vector<16xf32>
      %add3A_448 = arith.constant 0.327511728 : f32
      %add3A_449 = vector.broadcast %add3A_448 : f32 to vector<16xf32>
      %add3A_450 = arith.addf %mul3A_447, %add3A_449 : vector<16xf32>
      %mul3A_451 = arith.mulf %add3A_450, %sub3A_432 : vector<16xf32>
      %add3A_452 = arith.constant -0.499333948 : f32
      %add3A_453 = vector.broadcast %add3A_452 : f32 to vector<16xf32>
      %add3A_454 = arith.addf %mul3A_451, %add3A_453 : vector<16xf32>
      %mul3A_455 = arith.mulf %add3A_454, %sub3A_432 : vector<16xf32>
      %add3A_456 = arith.constant 0.999970257 : f32
      %add3A_457 = vector.broadcast %add3A_456 : f32 to vector<16xf32>
      %add3A_458 = arith.addf %mul3A_455, %add3A_457 : vector<16xf32>
      %mul3A_459 = arith.mulf %add3A_458, %sub3A_432 : vector<16xf32>
      %add3A_460 = arith.constant 2.21597645E-7 : f32
      %add3A_461 = vector.broadcast %add3A_460 : f32 to vector<16xf32>
      %add3A_462 = arith.addf %mul3A_459, %add3A_461 : vector<16xf32>
      %mul3A_463 = arith.constant 0.693147182 : f32
      %mul3A_464 = vector.broadcast %mul3A_463 : f32 to vector<16xf32>
      %mul3A_465 = arith.mulf %convert_element_type3A_422, %mul3A_464 : vector<16xf32>
      %add3A_466 = arith.addf %mul3A_465, %add3A_462 : vector<16xf32>
      %add3A_467 = arith.constant 9.99999993E-9 : f32
      %add3A_468 = vector.broadcast %add3A_467 : f32 to vector<16xf32>
      %add3A_469 = arith.addf %gather3A_411, %add3A_468 : vector<16xf32>
      %bitcast3A_470 = vector.bitcast %add3A_469 : vector<16xf32> to vector<16xi32>
      %shift_right_arithmetic3A_471 = arith.constant 23 : i32
      %shift_right_arithmetic3A_472 = vector.broadcast %shift_right_arithmetic3A_471 : i32 to vector<16xi32>
      %shift_right_arithmetic3A_473 = arith.shrsi %bitcast3A_470, %shift_right_arithmetic3A_472 : vector<16xi32>
      %sub3A_474 = arith.constant 127 : i32
      %sub3A_475 = vector.broadcast %sub3A_474 : i32 to vector<16xi32>
      %sub3A_476 = arith.subi %shift_right_arithmetic3A_473, %sub3A_475 : vector<16xi32>
      %convert_element_type3A_477 = arith.sitofp %sub3A_476 : vector<16xi32> to vector<16xf32>
      %and3A_478 = arith.constant 8388607 : i32
      %and3A_479 = vector.broadcast %and3A_478 : i32 to vector<16xi32>
      %and3A_480 = arith.andi %bitcast3A_470, %and3A_479 : vector<16xi32>
      %or3A_481 = arith.constant 1065353216 : i32
      %or3A_482 = vector.broadcast %or3A_481 : i32 to vector<16xi32>
      %or3A_483 = arith.ori %and3A_480, %or3A_482 : vector<16xi32>
      %bitcast3A_484 = vector.bitcast %or3A_483 : vector<16xi32> to vector<16xf32>
      %sub3A_485 = arith.constant 1.000000e+00 : f32
      %sub3A_486 = vector.broadcast %sub3A_485 : f32 to vector<16xf32>
      %sub3A_487 = arith.subf %bitcast3A_484, %sub3A_486 : vector<16xf32>
      %broadcast_in_dim3A_488 = arith.constant 0.0102438284 : f32
      %broadcast_in_dim3A_489 = vector.broadcast %broadcast_in_dim3A_488 : f32 to vector<16xf32>
      %mul3A_490 = arith.mulf %broadcast_in_dim3A_489, %sub3A_487 : vector<16xf32>
      %add3A_491 = arith.constant -0.0532674789 : f32
      %add3A_492 = vector.broadcast %add3A_491 : f32 to vector<16xf32>
      %add3A_493 = arith.addf %mul3A_490, %add3A_492 : vector<16xf32>
      %mul3A_494 = arith.mulf %add3A_493, %sub3A_487 : vector<16xf32>
      %add3A_495 = arith.constant 0.131989658 : f32
      %add3A_496 = vector.broadcast %add3A_495 : f32 to vector<16xf32>
      %add3A_497 = arith.addf %mul3A_494, %add3A_496 : vector<16xf32>
      %mul3A_498 = arith.mulf %add3A_497, %sub3A_487 : vector<16xf32>
      %add3A_499 = arith.constant -0.223966897 : f32
      %add3A_500 = vector.broadcast %add3A_499 : f32 to vector<16xf32>
      %add3A_501 = arith.addf %mul3A_498, %add3A_500 : vector<16xf32>
      %mul3A_502 = arith.mulf %add3A_501, %sub3A_487 : vector<16xf32>
      %add3A_503 = arith.constant 0.327511728 : f32
      %add3A_504 = vector.broadcast %add3A_503 : f32 to vector<16xf32>
      %add3A_505 = arith.addf %mul3A_502, %add3A_504 : vector<16xf32>
      %mul3A_506 = arith.mulf %add3A_505, %sub3A_487 : vector<16xf32>
      %add3A_507 = arith.constant -0.499333948 : f32
      %add3A_508 = vector.broadcast %add3A_507 : f32 to vector<16xf32>
      %add3A_509 = arith.addf %mul3A_506, %add3A_508 : vector<16xf32>
      %mul3A_510 = arith.mulf %add3A_509, %sub3A_487 : vector<16xf32>
      %add3A_511 = arith.constant 0.999970257 : f32
      %add3A_512 = vector.broadcast %add3A_511 : f32 to vector<16xf32>
      %add3A_513 = arith.addf %mul3A_510, %add3A_512 : vector<16xf32>
      %mul3A_514 = arith.mulf %add3A_513, %sub3A_487 : vector<16xf32>
      %add3A_515 = arith.constant 2.21597645E-7 : f32
      %add3A_516 = vector.broadcast %add3A_515 : f32 to vector<16xf32>
      %add3A_517 = arith.addf %mul3A_514, %add3A_516 : vector<16xf32>
      %mul3A_518 = arith.constant 0.693147182 : f32
      %mul3A_519 = vector.broadcast %mul3A_518 : f32 to vector<16xf32>
      %mul3A_520 = arith.mulf %convert_element_type3A_477, %mul3A_519 : vector<16xf32>
      %add3A_521 = arith.addf %mul3A_520, %add3A_517 : vector<16xf32>
      %mul3A_522 = arith.mulf %add3A_466, %div3A_7 : vector<16xf32>
      %exp3A_523 = math.exp %mul3A_522 : vector<16xf32>
      %mul3A_524 = arith.mulf %add3A_521, %div3A_7 : vector<16xf32>
      %exp3A_525 = math.exp %mul3A_524 : vector<16xf32>
      %add3A_526 = arith.addf %add3A_397, %exp3A_523 : vector<16xf32>
      %add3A_527 = arith.addf %add3A_398, %exp3A_525 : vector<16xf32>
      %sub3A_528 = arith.subf %add3A_466, %add3A_521 : vector<16xf32>
      %mul3A_529 = arith.mulf %exp3A_523, %sub3A_528 : vector<16xf32>
      %add3A_530 = arith.addf %add3A_401, %mul3A_529 : vector<16xf32>
      %mul3A_531 = arith.mulf %gather3A_411, %add3A_521 : vector<16xf32>
      %add3A_532 = arith.addf %add3A_403, %mul3A_531 : vector<16xf32>
      %broadcast_in_dim3A_533 = arith.constant 3 : i32
      %broadcast_in_dim3A_534 = vector.broadcast %broadcast_in_dim3A_533 : i32 to vector<16xi32>
      %mul3A_535 = arith.constant 8 : i32
      %mul3A_536 = arith.muli %scan3A_143, %mul3A_535 : i32
      %add3A_537 = vector.broadcast %mul3A_536 : i32 to vector<16xi32>
      %add3A_538 = arith.addi %broadcast_in_dim3A_534, %add3A_537 : vector<16xi32>
      %gather3A_539 = tpu.vector_load_idx %arg6[%add3A_16, %add3A_538] : memref<16x64xf32, #tpu.memory_space<vmem>>[vector<16xi32>, vector<16xi32>], vector<16xf32>,
      %gather3A_540 = tpu.vector_load_idx %arg7[%add3A_16, %add3A_538] : memref<16x64xf32, #tpu.memory_space<vmem>>[vector<16xi32>, vector<16xi32>], vector<16xf32>,
      %add3A_541 = arith.constant 9.99999993E-9 : f32
      %add3A_542 = vector.broadcast %add3A_541 : f32 to vector<16xf32>
      %add3A_543 = arith.addf %gather3A_539, %add3A_542 : vector<16xf32>
      %bitcast3A_544 = vector.bitcast %add3A_543 : vector<16xf32> to vector<16xi32>
      %shift_right_arithmetic3A_545 = arith.constant 23 : i32
      %shift_right_arithmetic3A_546 = vector.broadcast %shift_right_arithmetic3A_545 : i32 to vector<16xi32>
      %shift_right_arithmetic3A_547 = arith.shrsi %bitcast3A_544, %shift_right_arithmetic3A_546 : vector<16xi32>
      %sub3A_548 = arith.constant 127 : i32
      %sub3A_549 = vector.broadcast %sub3A_548 : i32 to vector<16xi32>
      %sub3A_550 = arith.subi %shift_right_arithmetic3A_547, %sub3A_549 : vector<16xi32>
      %convert_element_type3A_551 = arith.sitofp %sub3A_550 : vector<16xi32> to vector<16xf32>
      %and3A_552 = arith.constant 8388607 : i32
      %and3A_553 = vector.broadcast %and3A_552 : i32 to vector<16xi32>
      %and3A_554 = arith.andi %bitcast3A_544, %and3A_553 : vector<16xi32>
      %or3A_555 = arith.constant 1065353216 : i32
      %or3A_556 = vector.broadcast %or3A_555 : i32 to vector<16xi32>
      %or3A_557 = arith.ori %and3A_554, %or3A_556 : vector<16xi32>
      %bitcast3A_558 = vector.bitcast %or3A_557 : vector<16xi32> to vector<16xf32>
      %sub3A_559 = arith.constant 1.000000e+00 : f32
      %sub3A_560 = vector.broadcast %sub3A_559 : f32 to vector<16xf32>
      %sub3A_561 = arith.subf %bitcast3A_558, %sub3A_560 : vector<16xf32>
      %broadcast_in_dim3A_562 = arith.constant 0.0102438284 : f32
      %broadcast_in_dim3A_563 = vector.broadcast %broadcast_in_dim3A_562 : f32 to vector<16xf32>
      %mul3A_564 = arith.mulf %broadcast_in_dim3A_563, %sub3A_561 : vector<16xf32>
      %add3A_565 = arith.constant -0.0532674789 : f32
      %add3A_566 = vector.broadcast %add3A_565 : f32 to vector<16xf32>
      %add3A_567 = arith.addf %mul3A_564, %add3A_566 : vector<16xf32>
      %mul3A_568 = arith.mulf %add3A_567, %sub3A_561 : vector<16xf32>
      %add3A_569 = arith.constant 0.131989658 : f32
      %add3A_570 = vector.broadcast %add3A_569 : f32 to vector<16xf32>
      %add3A_571 = arith.addf %mul3A_568, %add3A_570 : vector<16xf32>
      %mul3A_572 = arith.mulf %add3A_571, %sub3A_561 : vector<16xf32>
      %add3A_573 = arith.constant -0.223966897 : f32
      %add3A_574 = vector.broadcast %add3A_573 : f32 to vector<16xf32>
      %add3A_575 = arith.addf %mul3A_572, %add3A_574 : vector<16xf32>
      %mul3A_576 = arith.mulf %add3A_575, %sub3A_561 : vector<16xf32>
      %add3A_577 = arith.constant 0.327511728 : f32
      %add3A_578 = vector.broadcast %add3A_577 : f32 to vector<16xf32>
      %add3A_579 = arith.addf %mul3A_576, %add3A_578 : vector<16xf32>
      %mul3A_580 = arith.mulf %add3A_579, %sub3A_561 : vector<16xf32>
      %add3A_581 = arith.constant -0.499333948 : f32
      %add3A_582 = vector.broadcast %add3A_581 : f32 to vector<16xf32>
      %add3A_583 = arith.addf %mul3A_580, %add3A_582 : vector<16xf32>
      %mul3A_584 = arith.mulf %add3A_583, %sub3A_561 : vector<16xf32>
      %add3A_585 = arith.constant 0.999970257 : f32
      %add3A_586 = vector.broadcast %add3A_585 : f32 to vector<16xf32>
      %add3A_587 = arith.addf %mul3A_584, %add3A_586 : vector<16xf32>
      %mul3A_588 = arith.mulf %add3A_587, %sub3A_561 : vector<16xf32>
      %add3A_589 = arith.constant 2.21597645E-7 : f32
      %add3A_590 = vector.broadcast %add3A_589 : f32 to vector<16xf32>
      %add3A_591 = arith.addf %mul3A_588, %add3A_590 : vector<16xf32>
      %mul3A_592 = arith.constant 0.693147182 : f32
      %mul3A_593 = vector.broadcast %mul3A_592 : f32 to vector<16xf32>
      %mul3A_594 = arith.mulf %convert_element_type3A_551, %mul3A_593 : vector<16xf32>
      %add3A_595 = arith.addf %mul3A_594, %add3A_591 : vector<16xf32>
      %add3A_596 = arith.constant 9.99999993E-9 : f32
      %add3A_597 = vector.broadcast %add3A_596 : f32 to vector<16xf32>
      %add3A_598 = arith.addf %gather3A_540, %add3A_597 : vector<16xf32>
      %bitcast3A_599 = vector.bitcast %add3A_598 : vector<16xf32> to vector<16xi32>
      %shift_right_arithmetic3A_600 = arith.constant 23 : i32
      %shift_right_arithmetic3A_601 = vector.broadcast %shift_right_arithmetic3A_600 : i32 to vector<16xi32>
      %shift_right_arithmetic3A_602 = arith.shrsi %bitcast3A_599, %shift_right_arithmetic3A_601 : vector<16xi32>
      %sub3A_603 = arith.constant 127 : i32
      %sub3A_604 = vector.broadcast %sub3A_603 : i32 to vector<16xi32>
      %sub3A_605 = arith.subi %shift_right_arithmetic3A_602, %sub3A_604 : vector<16xi32>
      %convert_element_type3A_606 = arith.sitofp %sub3A_605 : vector<16xi32> to vector<16xf32>
      %and3A_607 = arith.constant 8388607 : i32
      %and3A_608 = vector.broadcast %and3A_607 : i32 to vector<16xi32>
      %and3A_609 = arith.andi %bitcast3A_599, %and3A_608 : vector<16xi32>
      %or3A_610 = arith.constant 1065353216 : i32
      %or3A_611 = vector.broadcast %or3A_610 : i32 to vector<16xi32>
      %or3A_612 = arith.ori %and3A_609, %or3A_611 : vector<16xi32>
      %bitcast3A_613 = vector.bitcast %or3A_612 : vector<16xi32> to vector<16xf32>
      %sub3A_614 = arith.constant 1.000000e+00 : f32
      %sub3A_615 = vector.broadcast %sub3A_614 : f32 to vector<16xf32>
      %sub3A_616 = arith.subf %bitcast3A_613, %sub3A_615 : vector<16xf32>
      %broadcast_in_dim3A_617 = arith.constant 0.0102438284 : f32
      %broadcast_in_dim3A_618 = vector.broadcast %broadcast_in_dim3A_617 : f32 to vector<16xf32>
      %mul3A_619 = arith.mulf %broadcast_in_dim3A_618, %sub3A_616 : vector<16xf32>
      %add3A_620 = arith.constant -0.0532674789 : f32
      %add3A_621 = vector.broadcast %add3A_620 : f32 to vector<16xf32>
      %add3A_622 = arith.addf %mul3A_619, %add3A_621 : vector<16xf32>
      %mul3A_623 = arith.mulf %add3A_622, %sub3A_616 : vector<16xf32>
      %add3A_624 = arith.constant 0.131989658 : f32
      %add3A_625 = vector.broadcast %add3A_624 : f32 to vector<16xf32>
      %add3A_626 = arith.addf %mul3A_623, %add3A_625 : vector<16xf32>
      %mul3A_627 = arith.mulf %add3A_626, %sub3A_616 : vector<16xf32>
      %add3A_628 = arith.constant -0.223966897 : f32
      %add3A_629 = vector.broadcast %add3A_628 : f32 to vector<16xf32>
      %add3A_630 = arith.addf %mul3A_627, %add3A_629 : vector<16xf32>
      %mul3A_631 = arith.mulf %add3A_630, %sub3A_616 : vector<16xf32>
      %add3A_632 = arith.constant 0.327511728 : f32
      %add3A_633 = vector.broadcast %add3A_632 : f32 to vector<16xf32>
      %add3A_634 = arith.addf %mul3A_631, %add3A_633 : vector<16xf32>
      %mul3A_635 = arith.mulf %add3A_634, %sub3A_616 : vector<16xf32>
      %add3A_636 = arith.constant -0.499333948 : f32
      %add3A_637 = vector.broadcast %add3A_636 : f32 to vector<16xf32>
      %add3A_638 = arith.addf %mul3A_635, %add3A_637 : vector<16xf32>
      %mul3A_639 = arith.mulf %add3A_638, %sub3A_616 : vector<16xf32>
      %add3A_640 = arith.constant 0.999970257 : f32
      %add3A_641 = vector.broadcast %add3A_640 : f32 to vector<16xf32>
      %add3A_642 = arith.addf %mul3A_639, %add3A_641 : vector<16xf32>
      %mul3A_643 = arith.mulf %add3A_642, %sub3A_616 : vector<16xf32>
      %add3A_644 = arith.constant 2.21597645E-7 : f32
      %add3A_645 = vector.broadcast %add3A_644 : f32 to vector<16xf32>
      %add3A_646 = arith.addf %mul3A_643, %add3A_645 : vector<16xf32>
      %mul3A_647 = arith.constant 0.693147182 : f32
      %mul3A_648 = vector.broadcast %mul3A_647 : f32 to vector<16xf32>
      %mul3A_649 = arith.mulf %convert_element_type3A_606, %mul3A_648 : vector<16xf32>
      %add3A_650 = arith.addf %mul3A_649, %add3A_646 : vector<16xf32>
      %mul3A_651 = arith.mulf %add3A_595, %div3A_7 : vector<16xf32>
      %exp3A_652 = math.exp %mul3A_651 : vector<16xf32>
      %mul3A_653 = arith.mulf %add3A_650, %div3A_7 : vector<16xf32>
      %exp3A_654 = math.exp %mul3A_653 : vector<16xf32>
      %add3A_655 = arith.addf %add3A_526, %exp3A_652 : vector<16xf32>
      %add3A_656 = arith.addf %add3A_527, %exp3A_654 : vector<16xf32>
      %sub3A_657 = arith.subf %add3A_595, %add3A_650 : vector<16xf32>
      %mul3A_658 = arith.mulf %exp3A_652, %sub3A_657 : vector<16xf32>
      %add3A_659 = arith.addf %add3A_530, %mul3A_658 : vector<16xf32>
      %mul3A_660 = arith.mulf %gather3A_540, %add3A_650 : vector<16xf32>
      %add3A_661 = arith.addf %add3A_532, %mul3A_660 : vector<16xf32>
      %broadcast_in_dim3A_662 = arith.constant 4 : i32
      %broadcast_in_dim3A_663 = vector.broadcast %broadcast_in_dim3A_662 : i32 to vector<16xi32>
      %mul3A_664 = arith.constant 8 : i32
      %mul3A_665 = arith.muli %scan3A_143, %mul3A_664 : i32
      %add3A_666 = vector.broadcast %mul3A_665 : i32 to vector<16xi32>
      %add3A_667 = arith.addi %broadcast_in_dim3A_663, %add3A_666 : vector<16xi32>
      %gather3A_668 = tpu.vector_load_idx %arg6[%add3A_16, %add3A_667] : memref<16x64xf32, #tpu.memory_space<vmem>>[vector<16xi32>, vector<16xi32>], vector<16xf32>,
      %gather3A_669 = tpu.vector_load_idx %arg7[%add3A_16, %add3A_667] : memref<16x64xf32, #tpu.memory_space<vmem>>[vector<16xi32>, vector<16xi32>], vector<16xf32>,
      %add3A_670 = arith.constant 9.99999993E-9 : f32
      %add3A_671 = vector.broadcast %add3A_670 : f32 to vector<16xf32>
      %add3A_672 = arith.addf %gather3A_668, %add3A_671 : vector<16xf32>
      %bitcast3A_673 = vector.bitcast %add3A_672 : vector<16xf32> to vector<16xi32>
      %shift_right_arithmetic3A_674 = arith.constant 23 : i32
      %shift_right_arithmetic3A_675 = vector.broadcast %shift_right_arithmetic3A_674 : i32 to vector<16xi32>
      %shift_right_arithmetic3A_676 = arith.shrsi %bitcast3A_673, %shift_right_arithmetic3A_675 : vector<16xi32>
      %sub3A_677 = arith.constant 127 : i32
      %sub3A_678 = vector.broadcast %sub3A_677 : i32 to vector<16xi32>
      %sub3A_679 = arith.subi %shift_right_arithmetic3A_676, %sub3A_678 : vector<16xi32>
      %convert_element_type3A_680 = arith.sitofp %sub3A_679 : vector<16xi32> to vector<16xf32>
      %and3A_681 = arith.constant 8388607 : i32
      %and3A_682 = vector.broadcast %and3A_681 : i32 to vector<16xi32>
      %and3A_683 = arith.andi %bitcast3A_673, %and3A_682 : vector<16xi32>
      %or3A_684 = arith.constant 1065353216 : i32
      %or3A_685 = vector.broadcast %or3A_684 : i32 to vector<16xi32>
      %or3A_686 = arith.ori %and3A_683, %or3A_685 : vector<16xi32>
      %bitcast3A_687 = vector.bitcast %or3A_686 : vector<16xi32> to vector<16xf32>
      %sub3A_688 = arith.constant 1.000000e+00 : f32
      %sub3A_689 = vector.broadcast %sub3A_688 : f32 to vector<16xf32>
      %sub3A_690 = arith.subf %bitcast3A_687, %sub3A_689 : vector<16xf32>
      %broadcast_in_dim3A_691 = arith.constant 0.0102438284 : f32
      %broadcast_in_dim3A_692 = vector.broadcast %broadcast_in_dim3A_691 : f32 to vector<16xf32>
      %mul3A_693 = arith.mulf %broadcast_in_dim3A_692, %sub3A_690 : vector<16xf32>
      %add3A_694 = arith.constant -0.0532674789 : f32
      %add3A_695 = vector.broadcast %add3A_694 : f32 to vector<16xf32>
      %add3A_696 = arith.addf %mul3A_693, %add3A_695 : vector<16xf32>
      %mul3A_697 = arith.mulf %add3A_696, %sub3A_690 : vector<16xf32>
      %add3A_698 = arith.constant 0.131989658 : f32
      %add3A_699 = vector.broadcast %add3A_698 : f32 to vector<16xf32>
      %add3A_700 = arith.addf %mul3A_697, %add3A_699 : vector<16xf32>
      %mul3A_701 = arith.mulf %add3A_700, %sub3A_690 : vector<16xf32>
      %add3A_702 = arith.constant -0.223966897 : f32
      %add3A_703 = vector.broadcast %add3A_702 : f32 to vector<16xf32>
      %add3A_704 = arith.addf %mul3A_701, %add3A_703 : vector<16xf32>
      %mul3A_705 = arith.mulf %add3A_704, %sub3A_690 : vector<16xf32>
      %add3A_706 = arith.constant 0.327511728 : f32
      %add3A_707 = vector.broadcast %add3A_706 : f32 to vector<16xf32>
      %add3A_708 = arith.addf %mul3A_705, %add3A_707 : vector<16xf32>
      %mul3A_709 = arith.mulf %add3A_708, %sub3A_690 : vector<16xf32>
      %add3A_710 = arith.constant -0.499333948 : f32
      %add3A_711 = vector.broadcast %add3A_710 : f32 to vector<16xf32>
      %add3A_712 = arith.addf %mul3A_709, %add3A_711 : vector<16xf32>
      %mul3A_713 = arith.mulf %add3A_712, %sub3A_690 : vector<16xf32>
      %add3A_714 = arith.constant 0.999970257 : f32
      %add3A_715 = vector.broadcast %add3A_714 : f32 to vector<16xf32>
      %add3A_716 = arith.addf %mul3A_713, %add3A_715 : vector<16xf32>
      %mul3A_717 = arith.mulf %add3A_716, %sub3A_690 : vector<16xf32>
      %add3A_718 = arith.constant 2.21597645E-7 : f32
      %add3A_719 = vector.broadcast %add3A_718 : f32 to vector<16xf32>
      %add3A_720 = arith.addf %mul3A_717, %add3A_719 : vector<16xf32>
      %mul3A_721 = arith.constant 0.693147182 : f32
      %mul3A_722 = vector.broadcast %mul3A_721 : f32 to vector<16xf32>
      %mul3A_723 = arith.mulf %convert_element_type3A_680, %mul3A_722 : vector<16xf32>
      %add3A_724 = arith.addf %mul3A_723, %add3A_720 : vector<16xf32>
      %add3A_725 = arith.constant 9.99999993E-9 : f32
      %add3A_726 = vector.broadcast %add3A_725 : f32 to vector<16xf32>
      %add3A_727 = arith.addf %gather3A_669, %add3A_726 : vector<16xf32>
      %bitcast3A_728 = vector.bitcast %add3A_727 : vector<16xf32> to vector<16xi32>
      %shift_right_arithmetic3A_729 = arith.constant 23 : i32
      %shift_right_arithmetic3A_730 = vector.broadcast %shift_right_arithmetic3A_729 : i32 to vector<16xi32>
      %shift_right_arithmetic3A_731 = arith.shrsi %bitcast3A_728, %shift_right_arithmetic3A_730 : vector<16xi32>
      %sub3A_732 = arith.constant 127 : i32
      %sub3A_733 = vector.broadcast %sub3A_732 : i32 to vector<16xi32>
      %sub3A_734 = arith.subi %shift_right_arithmetic3A_731, %sub3A_733 : vector<16xi32>
      %convert_element_type3A_735 = arith.sitofp %sub3A_734 : vector<16xi32> to vector<16xf32>
      %and3A_736 = arith.constant 8388607 : i32
      %and3A_737 = vector.broadcast %and3A_736 : i32 to vector<16xi32>
      %and3A_738 = arith.andi %bitcast3A_728, %and3A_737 : vector<16xi32>
      %or3A_739 = arith.constant 1065353216 : i32
      %or3A_740 = vector.broadcast %or3A_739 : i32 to vector<16xi32>
      %or3A_741 = arith.ori %and3A_738, %or3A_740 : vector<16xi32>
      %bitcast3A_742 = vector.bitcast %or3A_741 : vector<16xi32> to vector<16xf32>
      %sub3A_743 = arith.constant 1.000000e+00 : f32
      %sub3A_744 = vector.broadcast %sub3A_743 : f32 to vector<16xf32>
      %sub3A_745 = arith.subf %bitcast3A_742, %sub3A_744 : vector<16xf32>
      %broadcast_in_dim3A_746 = arith.constant 0.0102438284 : f32
      %broadcast_in_dim3A_747 = vector.broadcast %broadcast_in_dim3A_746 : f32 to vector<16xf32>
      %mul3A_748 = arith.mulf %broadcast_in_dim3A_747, %sub3A_745 : vector<16xf32>
      %add3A_749 = arith.constant -0.0532674789 : f32
      %add3A_750 = vector.broadcast %add3A_749 : f32 to vector<16xf32>
      %add3A_751 = arith.addf %mul3A_748, %add3A_750 : vector<16xf32>
      %mul3A_752 = arith.mulf %add3A_751, %sub3A_745 : vector<16xf32>
      %add3A_753 = arith.constant 0.131989658 : f32
      %add3A_754 = vector.broadcast %add3A_753 : f32 to vector<16xf32>
      %add3A_755 = arith.addf %mul3A_752, %add3A_754 : vector<16xf32>
      %mul3A_756 = arith.mulf %add3A_755, %sub3A_745 : vector<16xf32>
      %add3A_757 = arith.constant -0.223966897 : f32
      %add3A_758 = vector.broadcast %add3A_757 : f32 to vector<16xf32>
      %add3A_759 = arith.addf %mul3A_756, %add3A_758 : vector<16xf32>
      %mul3A_760 = arith.mulf %add3A_759, %sub3A_745 : vector<16xf32>
      %add3A_761 = arith.constant 0.327511728 : f32
      %add3A_762 = vector.broadcast %add3A_761 : f32 to vector<16xf32>
      %add3A_763 = arith.addf %mul3A_760, %add3A_762 : vector<16xf32>
      %mul3A_764 = arith.mulf %add3A_763, %sub3A_745 : vector<16xf32>
      %add3A_765 = arith.constant -0.499333948 : f32
      %add3A_766 = vector.broadcast %add3A_765 : f32 to vector<16xf32>
      %add3A_767 = arith.addf %mul3A_764, %add3A_766 : vector<16xf32>
      %mul3A_768 = arith.mulf %add3A_767, %sub3A_745 : vector<16xf32>
      %add3A_769 = arith.constant 0.999970257 : f32
      %add3A_770 = vector.broadcast %add3A_769 : f32 to vector<16xf32>
      %add3A_771 = arith.addf %mul3A_768, %add3A_770 : vector<16xf32>
      %mul3A_772 = arith.mulf %add3A_771, %sub3A_745 : vector<16xf32>
      %add3A_773 = arith.constant 2.21597645E-7 : f32
      %add3A_774 = vector.broadcast %add3A_773 : f32 to vector<16xf32>
      %add3A_775 = arith.addf %mul3A_772, %add3A_774 : vector<16xf32>
      %mul3A_776 = arith.constant 0.693147182 : f32
      %mul3A_777 = vector.broadcast %mul3A_776 : f32 to vector<16xf32>
      %mul3A_778 = arith.mulf %convert_element_type3A_735, %mul3A_777 : vector<16xf32>
      %add3A_779 = arith.addf %mul3A_778, %add3A_775 : vector<16xf32>
      %mul3A_780 = arith.mulf %add3A_724, %div3A_7 : vector<16xf32>
      %exp3A_781 = math.exp %mul3A_780 : vector<16xf32>
      %mul3A_782 = arith.mulf %add3A_779, %div3A_7 : vector<16xf32>
      %exp3A_783 = math.exp %mul3A_782 : vector<16xf32>
      %add3A_784 = arith.addf %add3A_655, %exp3A_781 : vector<16xf32>
      %add3A_785 = arith.addf %add3A_656, %exp3A_783 : vector<16xf32>
      %sub3A_786 = arith.subf %add3A_724, %add3A_779 : vector<16xf32>
      %mul3A_787 = arith.mulf %exp3A_781, %sub3A_786 : vector<16xf32>
      %add3A_788 = arith.addf %add3A_659, %mul3A_787 : vector<16xf32>
      %mul3A_789 = arith.mulf %gather3A_669, %add3A_779 : vector<16xf32>
      %add3A_790 = arith.addf %add3A_661, %mul3A_789 : vector<16xf32>
      %broadcast_in_dim3A_791 = arith.constant 5 : i32
      %broadcast_in_dim3A_792 = vector.broadcast %broadcast_in_dim3A_791 : i32 to vector<16xi32>
      %mul3A_793 = arith.constant 8 : i32
      %mul3A_794 = arith.muli %scan3A_143, %mul3A_793 : i32
      %add3A_795 = vector.broadcast %mul3A_794 : i32 to vector<16xi32>
      %add3A_796 = arith.addi %broadcast_in_dim3A_792, %add3A_795 : vector<16xi32>
      %gather3A_797 = tpu.vector_load_idx %arg6[%add3A_16, %add3A_796] : memref<16x64xf32, #tpu.memory_space<vmem>>[vector<16xi32>, vector<16xi32>], vector<16xf32>,
      %gather3A_798 = tpu.vector_load_idx %arg7[%add3A_16, %add3A_796] : memref<16x64xf32, #tpu.memory_space<vmem>>[vector<16xi32>, vector<16xi32>], vector<16xf32>,
      %add3A_799 = arith.constant 9.99999993E-9 : f32
      %add3A_800 = vector.broadcast %add3A_799 : f32 to vector<16xf32>
      %add3A_801 = arith.addf %gather3A_797, %add3A_800 : vector<16xf32>
      %bitcast3A_802 = vector.bitcast %add3A_801 : vector<16xf32> to vector<16xi32>
      %shift_right_arithmetic3A_803 = arith.constant 23 : i32
      %shift_right_arithmetic3A_804 = vector.broadcast %shift_right_arithmetic3A_803 : i32 to vector<16xi32>
      %shift_right_arithmetic3A_805 = arith.shrsi %bitcast3A_802, %shift_right_arithmetic3A_804 : vector<16xi32>
      %sub3A_806 = arith.constant 127 : i32
      %sub3A_807 = vector.broadcast %sub3A_806 : i32 to vector<16xi32>
      %sub3A_808 = arith.subi %shift_right_arithmetic3A_805, %sub3A_807 : vector<16xi32>
      %convert_element_type3A_809 = arith.sitofp %sub3A_808 : vector<16xi32> to vector<16xf32>
      %and3A_810 = arith.constant 8388607 : i32
      %and3A_811 = vector.broadcast %and3A_810 : i32 to vector<16xi32>
      %and3A_812 = arith.andi %bitcast3A_802, %and3A_811 : vector<16xi32>
      %or3A_813 = arith.constant 1065353216 : i32
      %or3A_814 = vector.broadcast %or3A_813 : i32 to vector<16xi32>
      %or3A_815 = arith.ori %and3A_812, %or3A_814 : vector<16xi32>
      %bitcast3A_816 = vector.bitcast %or3A_815 : vector<16xi32> to vector<16xf32>
      %sub3A_817 = arith.constant 1.000000e+00 : f32
      %sub3A_818 = vector.broadcast %sub3A_817 : f32 to vector<16xf32>
      %sub3A_819 = arith.subf %bitcast3A_816, %sub3A_818 : vector<16xf32>
      %broadcast_in_dim3A_820 = arith.constant 0.0102438284 : f32
      %broadcast_in_dim3A_821 = vector.broadcast %broadcast_in_dim3A_820 : f32 to vector<16xf32>
      %mul3A_822 = arith.mulf %broadcast_in_dim3A_821, %sub3A_819 : vector<16xf32>
      %add3A_823 = arith.constant -0.0532674789 : f32
      %add3A_824 = vector.broadcast %add3A_823 : f32 to vector<16xf32>
      %add3A_825 = arith.addf %mul3A_822, %add3A_824 : vector<16xf32>
      %mul3A_826 = arith.mulf %add3A_825, %sub3A_819 : vector<16xf32>
      %add3A_827 = arith.constant 0.131989658 : f32
      %add3A_828 = vector.broadcast %add3A_827 : f32 to vector<16xf32>
      %add3A_829 = arith.addf %mul3A_826, %add3A_828 : vector<16xf32>
      %mul3A_830 = arith.mulf %add3A_829, %sub3A_819 : vector<16xf32>
      %add3A_831 = arith.constant -0.223966897 : f32
      %add3A_832 = vector.broadcast %add3A_831 : f32 to vector<16xf32>
      %add3A_833 = arith.addf %mul3A_830, %add3A_832 : vector<16xf32>
      %mul3A_834 = arith.mulf %add3A_833, %sub3A_819 : vector<16xf32>
      %add3A_835 = arith.constant 0.327511728 : f32
      %add3A_836 = vector.broadcast %add3A_835 : f32 to vector<16xf32>
      %add3A_837 = arith.addf %mul3A_834, %add3A_836 : vector<16xf32>
      %mul3A_838 = arith.mulf %add3A_837, %sub3A_819 : vector<16xf32>
      %add3A_839 = arith.constant -0.499333948 : f32
      %add3A_840 = vector.broadcast %add3A_839 : f32 to vector<16xf32>
      %add3A_841 = arith.addf %mul3A_838, %add3A_840 : vector<16xf32>
      %mul3A_842 = arith.mulf %add3A_841, %sub3A_819 : vector<16xf32>
      %add3A_843 = arith.constant 0.999970257 : f32
      %add3A_844 = vector.broadcast %add3A_843 : f32 to vector<16xf32>
      %add3A_845 = arith.addf %mul3A_842, %add3A_844 : vector<16xf32>
      %mul3A_846 = arith.mulf %add3A_845, %sub3A_819 : vector<16xf32>
      %add3A_847 = arith.constant 2.21597645E-7 : f32
      %add3A_848 = vector.broadcast %add3A_847 : f32 to vector<16xf32>
      %add3A_849 = arith.addf %mul3A_846, %add3A_848 : vector<16xf32>
      %mul3A_850 = arith.constant 0.693147182 : f32
      %mul3A_851 = vector.broadcast %mul3A_850 : f32 to vector<16xf32>
      %mul3A_852 = arith.mulf %convert_element_type3A_809, %mul3A_851 : vector<16xf32>
      %add3A_853 = arith.addf %mul3A_852, %add3A_849 : vector<16xf32>
      %add3A_854 = arith.constant 9.99999993E-9 : f32
      %add3A_855 = vector.broadcast %add3A_854 : f32 to vector<16xf32>
      %add3A_856 = arith.addf %gather3A_798, %add3A_855 : vector<16xf32>
      %bitcast3A_857 = vector.bitcast %add3A_856 : vector<16xf32> to vector<16xi32>
      %shift_right_arithmetic3A_858 = arith.constant 23 : i32
      %shift_right_arithmetic3A_859 = vector.broadcast %shift_right_arithmetic3A_858 : i32 to vector<16xi32>
      %shift_right_arithmetic3A_860 = arith.shrsi %bitcast3A_857, %shift_right_arithmetic3A_859 : vector<16xi32>
      %sub3A_861 = arith.constant 127 : i32
      %sub3A_862 = vector.broadcast %sub3A_861 : i32 to vector<16xi32>
      %sub3A_863 = arith.subi %shift_right_arithmetic3A_860, %sub3A_862 : vector<16xi32>
      %convert_element_type3A_864 = arith.sitofp %sub3A_863 : vector<16xi32> to vector<16xf32>
      %and3A_865 = arith.constant 8388607 : i32
      %and3A_866 = vector.broadcast %and3A_865 : i32 to vector<16xi32>
      %and3A_867 = arith.andi %bitcast3A_857, %and3A_866 : vector<16xi32>
      %or3A_868 = arith.constant 1065353216 : i32
      %or3A_869 = vector.broadcast %or3A_868 : i32 to vector<16xi32>
      %or3A_870 = arith.ori %and3A_867, %or3A_869 : vector<16xi32>
      %bitcast3A_871 = vector.bitcast %or3A_870 : vector<16xi32> to vector<16xf32>
      %sub3A_872 = arith.constant 1.000000e+00 : f32
      %sub3A_873 = vector.broadcast %sub3A_872 : f32 to vector<16xf32>
      %sub3A_874 = arith.subf %bitcast3A_871, %sub3A_873 : vector<16xf32>
      %broadcast_in_dim3A_875 = arith.constant 0.0102438284 : f32
      %broadcast_in_dim3A_876 = vector.broadcast %broadcast_in_dim3A_875 : f32 to vector<16xf32>
      %mul3A_877 = arith.mulf %broadcast_in_dim3A_876, %sub3A_874 : vector<16xf32>
      %add3A_878 = arith.constant -0.0532674789 : f32
      %add3A_879 = vector.broadcast %add3A_878 : f32 to vector<16xf32>
      %add3A_880 = arith.addf %mul3A_877, %add3A_879 : vector<16xf32>
      %mul3A_881 = arith.mulf %add3A_880, %sub3A_874 : vector<16xf32>
      %add3A_882 = arith.constant 0.131989658 : f32
      %add3A_883 = vector.broadcast %add3A_882 : f32 to vector<16xf32>
      %add3A_884 = arith.addf %mul3A_881, %add3A_883 : vector<16xf32>
      %mul3A_885 = arith.mulf %add3A_884, %sub3A_874 : vector<16xf32>
      %add3A_886 = arith.constant -0.223966897 : f32
      %add3A_887 = vector.broadcast %add3A_886 : f32 to vector<16xf32>
      %add3A_888 = arith.addf %mul3A_885, %add3A_887 : vector<16xf32>
      %mul3A_889 = arith.mulf %add3A_888, %sub3A_874 : vector<16xf32>
      %add3A_890 = arith.constant 0.327511728 : f32
      %add3A_891 = vector.broadcast %add3A_890 : f32 to vector<16xf32>
      %add3A_892 = arith.addf %mul3A_889, %add3A_891 : vector<16xf32>
      %mul3A_893 = arith.mulf %add3A_892, %sub3A_874 : vector<16xf32>
      %add3A_894 = arith.constant -0.499333948 : f32
      %add3A_895 = vector.broadcast %add3A_894 : f32 to vector<16xf32>
      %add3A_896 = arith.addf %mul3A_893, %add3A_895 : vector<16xf32>
      %mul3A_897 = arith.mulf %add3A_896, %sub3A_874 : vector<16xf32>
      %add3A_898 = arith.constant 0.999970257 : f32
      %add3A_899 = vector.broadcast %add3A_898 : f32 to vector<16xf32>
      %add3A_900 = arith.addf %mul3A_897, %add3A_899 : vector<16xf32>
      %mul3A_901 = arith.mulf %add3A_900, %sub3A_874 : vector<16xf32>
      %add3A_902 = arith.constant 2.21597645E-7 : f32
      %add3A_903 = vector.broadcast %add3A_902 : f32 to vector<16xf32>
      %add3A_904 = arith.addf %mul3A_901, %add3A_903 : vector<16xf32>
      %mul3A_905 = arith.constant 0.693147182 : f32
      %mul3A_906 = vector.broadcast %mul3A_905 : f32 to vector<16xf32>
      %mul3A_907 = arith.mulf %convert_element_type3A_864, %mul3A_906 : vector<16xf32>
      %add3A_908 = arith.addf %mul3A_907, %add3A_904 : vector<16xf32>
      %mul3A_909 = arith.mulf %add3A_853, %div3A_7 : vector<16xf32>
      %exp3A_910 = math.exp %mul3A_909 : vector<16xf32>
      %mul3A_911 = arith.mulf %add3A_908, %div3A_7 : vector<16xf32>
      %exp3A_912 = math.exp %mul3A_911 : vector<16xf32>
      %add3A_913 = arith.addf %add3A_784, %exp3A_910 : vector<16xf32>
      %add3A_914 = arith.addf %add3A_785, %exp3A_912 : vector<16xf32>
      %sub3A_915 = arith.subf %add3A_853, %add3A_908 : vector<16xf32>
      %mul3A_916 = arith.mulf %exp3A_910, %sub3A_915 : vector<16xf32>
      %add3A_917 = arith.addf %add3A_788, %mul3A_916 : vector<16xf32>
      %mul3A_918 = arith.mulf %gather3A_798, %add3A_908 : vector<16xf32>
      %add3A_919 = arith.addf %add3A_790, %mul3A_918 : vector<16xf32>
      %broadcast_in_dim3A_920 = arith.constant 6 : i32
      %broadcast_in_dim3A_921 = vector.broadcast %broadcast_in_dim3A_920 : i32 to vector<16xi32>
      %mul3A_922 = arith.constant 8 : i32
      %mul3A_923 = arith.muli %scan3A_143, %mul3A_922 : i32
      %add3A_924 = vector.broadcast %mul3A_923 : i32 to vector<16xi32>
      %add3A_925 = arith.addi %broadcast_in_dim3A_921, %add3A_924 : vector<16xi32>
      %gather3A_926 = tpu.vector_load_idx %arg6[%add3A_16, %add3A_925] : memref<16x64xf32, #tpu.memory_space<vmem>>[vector<16xi32>, vector<16xi32>], vector<16xf32>,
      %gather3A_927 = tpu.vector_load_idx %arg7[%add3A_16, %add3A_925] : memref<16x64xf32, #tpu.memory_space<vmem>>[vector<16xi32>, vector<16xi32>], vector<16xf32>,
      %add3A_928 = arith.constant 9.99999993E-9 : f32
      %add3A_929 = vector.broadcast %add3A_928 : f32 to vector<16xf32>
      %add3A_930 = arith.addf %gather3A_926, %add3A_929 : vector<16xf32>
      %bitcast3A_931 = vector.bitcast %add3A_930 : vector<16xf32> to vector<16xi32>
      %shift_right_arithmetic3A_932 = arith.constant 23 : i32
      %shift_right_arithmetic3A_933 = vector.broadcast %shift_right_arithmetic3A_932 : i32 to vector<16xi32>
      %shift_right_arithmetic3A_934 = arith.shrsi %bitcast3A_931, %shift_right_arithmetic3A_933 : vector<16xi32>
      %sub3A_935 = arith.constant 127 : i32
      %sub3A_936 = vector.broadcast %sub3A_935 : i32 to vector<16xi32>
      %sub3A_937 = arith.subi %shift_right_arithmetic3A_934, %sub3A_936 : vector<16xi32>
      %convert_element_type3A_938 = arith.sitofp %sub3A_937 : vector<16xi32> to vector<16xf32>
      %and3A_939 = arith.constant 8388607 : i32
      %and3A_940 = vector.broadcast %and3A_939 : i32 to vector<16xi32>
      %and3A_941 = arith.andi %bitcast3A_931, %and3A_940 : vector<16xi32>
      %or3A_942 = arith.constant 1065353216 : i32
      %or3A_943 = vector.broadcast %or3A_942 : i32 to vector<16xi32>
      %or3A_944 = arith.ori %and3A_941, %or3A_943 : vector<16xi32>
      %bitcast3A_945 = vector.bitcast %or3A_944 : vector<16xi32> to vector<16xf32>
      %sub3A_946 = arith.constant 1.000000e+00 : f32
      %sub3A_947 = vector.broadcast %sub3A_946 : f32 to vector<16xf32>
      %sub3A_948 = arith.subf %bitcast3A_945, %sub3A_947 : vector<16xf32>
      %broadcast_in_dim3A_949 = arith.constant 0.0102438284 : f32
      %broadcast_in_dim3A_950 = vector.broadcast %broadcast_in_dim3A_949 : f32 to vector<16xf32>
      %mul3A_951 = arith.mulf %broadcast_in_dim3A_950, %sub3A_948 : vector<16xf32>
      %add3A_952 = arith.constant -0.0532674789 : f32
      %add3A_953 = vector.broadcast %add3A_952 : f32 to vector<16xf32>
      %add3A_954 = arith.addf %mul3A_951, %add3A_953 : vector<16xf32>
      %mul3A_955 = arith.mulf %add3A_954, %sub3A_948 : vector<16xf32>
      %add3A_956 = arith.constant 0.131989658 : f32
      %add3A_957 = vector.broadcast %add3A_956 : f32 to vector<16xf32>
      %add3A_958 = arith.addf %mul3A_955, %add3A_957 : vector<16xf32>
      %mul3A_959 = arith.mulf %add3A_958, %sub3A_948 : vector<16xf32>
      %add3A_960 = arith.constant -0.223966897 : f32
      %add3A_961 = vector.broadcast %add3A_960 : f32 to vector<16xf32>
      %add3A_962 = arith.addf %mul3A_959, %add3A_961 : vector<16xf32>
      %mul3A_963 = arith.mulf %add3A_962, %sub3A_948 : vector<16xf32>
      %add3A_964 = arith.constant 0.327511728 : f32
      %add3A_965 = vector.broadcast %add3A_964 : f32 to vector<16xf32>
      %add3A_966 = arith.addf %mul3A_963, %add3A_965 : vector<16xf32>
      %mul3A_967 = arith.mulf %add3A_966, %sub3A_948 : vector<16xf32>
      %add3A_968 = arith.constant -0.499333948 : f32
      %add3A_969 = vector.broadcast %add3A_968 : f32 to vector<16xf32>
      %add3A_970 = arith.addf %mul3A_967, %add3A_969 : vector<16xf32>
      %mul3A_971 = arith.mulf %add3A_970, %sub3A_948 : vector<16xf32>
      %add3A_972 = arith.constant 0.999970257 : f32
      %add3A_973 = vector.broadcast %add3A_972 : f32 to vector<16xf32>
      %add3A_974 = arith.addf %mul3A_971, %add3A_973 : vector<16xf32>
      %mul3A_975 = arith.mulf %add3A_974, %sub3A_948 : vector<16xf32>
      %add3A_976 = arith.constant 2.21597645E-7 : f32
      %add3A_977 = vector.broadcast %add3A_976 : f32 to vector<16xf32>
      %add3A_978 = arith.addf %mul3A_975, %add3A_977 : vector<16xf32>
      %mul3A_979 = arith.constant 0.693147182 : f32
      %mul3A_980 = vector.broadcast %mul3A_979 : f32 to vector<16xf32>
      %mul3A_981 = arith.mulf %convert_element_type3A_938, %mul3A_980 : vector<16xf32>
      %add3A_982 = arith.addf %mul3A_981, %add3A_978 : vector<16xf32>
      %add3A_983 = arith.constant 9.99999993E-9 : f32
      %add3A_984 = vector.broadcast %add3A_983 : f32 to vector<16xf32>
      %add3A_985 = arith.addf %gather3A_927, %add3A_984 : vector<16xf32>
      %bitcast3A_986 = vector.bitcast %add3A_985 : vector<16xf32> to vector<16xi32>
      %shift_right_arithmetic3A_987 = arith.constant 23 : i32
      %shift_right_arithmetic3A_988 = vector.broadcast %shift_right_arithmetic3A_987 : i32 to vector<16xi32>
      %shift_right_arithmetic3A_989 = arith.shrsi %bitcast3A_986, %shift_right_arithmetic3A_988 : vector<16xi32>
      %sub3A_990 = arith.constant 127 : i32
      %sub3A_991 = vector.broadcast %sub3A_990 : i32 to vector<16xi32>
      %sub3A_992 = arith.subi %shift_right_arithmetic3A_989, %sub3A_991 : vector<16xi32>
      %convert_element_type3A_993 = arith.sitofp %sub3A_992 : vector<16xi32> to vector<16xf32>
      %and3A_994 = arith.constant 8388607 : i32
      %and3A_995 = vector.broadcast %and3A_994 : i32 to vector<16xi32>
      %and3A_996 = arith.andi %bitcast3A_986, %and3A_995 : vector<16xi32>
      %or3A_997 = arith.constant 1065353216 : i32
      %or3A_998 = vector.broadcast %or3A_997 : i32 to vector<16xi32>
      %or3A_999 = arith.ori %and3A_996, %or3A_998 : vector<16xi32>
      %bitcast3A_1000 = vector.bitcast %or3A_999 : vector<16xi32> to vector<16xf32>
      %sub3A_1001 = arith.constant 1.000000e+00 : f32
      %sub3A_1002 = vector.broadcast %sub3A_1001 : f32 to vector<16xf32>
      %sub3A_1003 = arith.subf %bitcast3A_1000, %sub3A_1002 : vector<16xf32>
      %broadcast_in_dim3A_1004 = arith.constant 0.0102438284 : f32
      %broadcast_in_dim3A_1005 = vector.broadcast %broadcast_in_dim3A_1004 : f32 to vector<16xf32>
      %mul3A_1006 = arith.mulf %broadcast_in_dim3A_1005, %sub3A_1003 : vector<16xf32>
      %add3A_1007 = arith.constant -0.0532674789 : f32
      %add3A_1008 = vector.broadcast %add3A_1007 : f32 to vector<16xf32>
      %add3A_1009 = arith.addf %mul3A_1006, %add3A_1008 : vector<16xf32>
      %mul3A_1010 = arith.mulf %add3A_1009, %sub3A_1003 : vector<16xf32>
      %add3A_1011 = arith.constant 0.131989658 : f32
      %add3A_1012 = vector.broadcast %add3A_1011 : f32 to vector<16xf32>
      %add3A_1013 = arith.addf %mul3A_1010, %add3A_1012 : vector<16xf32>
      %mul3A_1014 = arith.mulf %add3A_1013, %sub3A_1003 : vector<16xf32>
      %add3A_1015 = arith.constant -0.223966897 : f32
      %add3A_1016 = vector.broadcast %add3A_1015 : f32 to vector<16xf32>
      %add3A_1017 = arith.addf %mul3A_1014, %add3A_1016 : vector<16xf32>
      %mul3A_1018 = arith.mulf %add3A_1017, %sub3A_1003 : vector<16xf32>
      %add3A_1019 = arith.constant 0.327511728 : f32
      %add3A_1020 = vector.broadcast %add3A_1019 : f32 to vector<16xf32>
      %add3A_1021 = arith.addf %mul3A_1018, %add3A_1020 : vector<16xf32>
      %mul3A_1022 = arith.mulf %add3A_1021, %sub3A_1003 : vector<16xf32>
      %add3A_1023 = arith.constant -0.499333948 : f32
      %add3A_1024 = vector.broadcast %add3A_1023 : f32 to vector<16xf32>
      %add3A_1025 = arith.addf %mul3A_1022, %add3A_1024 : vector<16xf32>
      %mul3A_1026 = arith.mulf %add3A_1025, %sub3A_1003 : vector<16xf32>
      %add3A_1027 = arith.constant 0.999970257 : f32
      %add3A_1028 = vector.broadcast %add3A_1027 : f32 to vector<16xf32>
      %add3A_1029 = arith.addf %mul3A_1026, %add3A_1028 : vector<16xf32>
      %mul3A_1030 = arith.mulf %add3A_1029, %sub3A_1003 : vector<16xf32>
      %add3A_1031 = arith.constant 2.21597645E-7 : f32
      %add3A_1032 = vector.broadcast %add3A_1031 : f32 to vector<16xf32>
      %add3A_1033 = arith.addf %mul3A_1030, %add3A_1032 : vector<16xf32>
      %mul3A_1034 = arith.constant 0.693147182 : f32
      %mul3A_1035 = vector.broadcast %mul3A_1034 : f32 to vector<16xf32>
      %mul3A_1036 = arith.mulf %convert_element_type3A_993, %mul3A_1035 : vector<16xf32>
      %add3A_1037 = arith.addf %mul3A_1036, %add3A_1033 : vector<16xf32>
      %mul3A_1038 = arith.mulf %add3A_982, %div3A_7 : vector<16xf32>
      %exp3A_1039 = math.exp %mul3A_1038 : vector<16xf32>
      %mul3A_1040 = arith.mulf %add3A_1037, %div3A_7 : vector<16xf32>
      %exp3A_1041 = math.exp %mul3A_1040 : vector<16xf32>
      %add3A_1042 = arith.addf %add3A_913, %exp3A_1039 : vector<16xf32>
      %add3A_1043 = arith.addf %add3A_914, %exp3A_1041 : vector<16xf32>
      %sub3A_1044 = arith.subf %add3A_982, %add3A_1037 : vector<16xf32>
      %mul3A_1045 = arith.mulf %exp3A_1039, %sub3A_1044 : vector<16xf32>
      %add3A_1046 = arith.addf %add3A_917, %mul3A_1045 : vector<16xf32>
      %mul3A_1047 = arith.mulf %gather3A_927, %add3A_1037 : vector<16xf32>
      %add3A_1048 = arith.addf %add3A_919, %mul3A_1047 : vector<16xf32>
      %broadcast_in_dim3A_1049 = arith.constant 7 : i32
      %broadcast_in_dim3A_1050 = vector.broadcast %broadcast_in_dim3A_1049 : i32 to vector<16xi32>
      %mul3A_1051 = arith.constant 8 : i32
      %mul3A_1052 = arith.muli %scan3A_143, %mul3A_1051 : i32
      %add3A_1053 = vector.broadcast %mul3A_1052 : i32 to vector<16xi32>
      %add3A_1054 = arith.addi %broadcast_in_dim3A_1050, %add3A_1053 : vector<16xi32>
      %gather3A_1055 = tpu.vector_load_idx %arg6[%add3A_16, %add3A_1054] : memref<16x64xf32, #tpu.memory_space<vmem>>[vector<16xi32>, vector<16xi32>], vector<16xf32>,
      %gather3A_1056 = tpu.vector_load_idx %arg7[%add3A_16, %add3A_1054] : memref<16x64xf32, #tpu.memory_space<vmem>>[vector<16xi32>, vector<16xi32>], vector<16xf32>,
      %add3A_1057 = arith.constant 9.99999993E-9 : f32
      %add3A_1058 = vector.broadcast %add3A_1057 : f32 to vector<16xf32>
      %add3A_1059 = arith.addf %gather3A_1055, %add3A_1058 : vector<16xf32>
      %bitcast3A_1060 = vector.bitcast %add3A_1059 : vector<16xf32> to vector<16xi32>
      %shift_right_arithmetic3A_1061 = arith.constant 23 : i32
      %shift_right_arithmetic3A_1062 = vector.broadcast %shift_right_arithmetic3A_1061 : i32 to vector<16xi32>
      %shift_right_arithmetic3A_1063 = arith.shrsi %bitcast3A_1060, %shift_right_arithmetic3A_1062 : vector<16xi32>
      %sub3A_1064 = arith.constant 127 : i32
      %sub3A_1065 = vector.broadcast %sub3A_1064 : i32 to vector<16xi32>
      %sub3A_1066 = arith.subi %shift_right_arithmetic3A_1063, %sub3A_1065 : vector<16xi32>
      %convert_element_type3A_1067 = arith.sitofp %sub3A_1066 : vector<16xi32> to vector<16xf32>
      %and3A_1068 = arith.constant 8388607 : i32
      %and3A_1069 = vector.broadcast %and3A_1068 : i32 to vector<16xi32>
      %and3A_1070 = arith.andi %bitcast3A_1060, %and3A_1069 : vector<16xi32>
      %or3A_1071 = arith.constant 1065353216 : i32
      %or3A_1072 = vector.broadcast %or3A_1071 : i32 to vector<16xi32>
      %or3A_1073 = arith.ori %and3A_1070, %or3A_1072 : vector<16xi32>
      %bitcast3A_1074 = vector.bitcast %or3A_1073 : vector<16xi32> to vector<16xf32>
      %sub3A_1075 = arith.constant 1.000000e+00 : f32
      %sub3A_1076 = vector.broadcast %sub3A_1075 : f32 to vector<16xf32>
      %sub3A_1077 = arith.subf %bitcast3A_1074, %sub3A_1076 : vector<16xf32>
      %broadcast_in_dim3A_1078 = arith.constant 0.0102438284 : f32
      %broadcast_in_dim3A_1079 = vector.broadcast %broadcast_in_dim3A_1078 : f32 to vector<16xf32>
      %mul3A_1080 = arith.mulf %broadcast_in_dim3A_1079, %sub3A_1077 : vector<16xf32>
      %add3A_1081 = arith.constant -0.0532674789 : f32
      %add3A_1082 = vector.broadcast %add3A_1081 : f32 to vector<16xf32>
      %add3A_1083 = arith.addf %mul3A_1080, %add3A_1082 : vector<16xf32>
      %mul3A_1084 = arith.mulf %add3A_1083, %sub3A_1077 : vector<16xf32>
      %add3A_1085 = arith.constant 0.131989658 : f32
      %add3A_1086 = vector.broadcast %add3A_1085 : f32 to vector<16xf32>
      %add3A_1087 = arith.addf %mul3A_1084, %add3A_1086 : vector<16xf32>
      %mul3A_1088 = arith.mulf %add3A_1087, %sub3A_1077 : vector<16xf32>
      %add3A_1089 = arith.constant -0.223966897 : f32
      %add3A_1090 = vector.broadcast %add3A_1089 : f32 to vector<16xf32>
      %add3A_1091 = arith.addf %mul3A_1088, %add3A_1090 : vector<16xf32>
      %mul3A_1092 = arith.mulf %add3A_1091, %sub3A_1077 : vector<16xf32>
      %add3A_1093 = arith.constant 0.327511728 : f32
      %add3A_1094 = vector.broadcast %add3A_1093 : f32 to vector<16xf32>
      %add3A_1095 = arith.addf %mul3A_1092, %add3A_1094 : vector<16xf32>
      %mul3A_1096 = arith.mulf %add3A_1095, %sub3A_1077 : vector<16xf32>
      %add3A_1097 = arith.constant -0.499333948 : f32
      %add3A_1098 = vector.broadcast %add3A_1097 : f32 to vector<16xf32>
      %add3A_1099 = arith.addf %mul3A_1096, %add3A_1098 : vector<16xf32>
      %mul3A_1100 = arith.mulf %add3A_1099, %sub3A_1077 : vector<16xf32>
      %add3A_1101 = arith.constant 0.999970257 : f32
      %add3A_1102 = vector.broadcast %add3A_1101 : f32 to vector<16xf32>
      %add3A_1103 = arith.addf %mul3A_1100, %add3A_1102 : vector<16xf32>
      %mul3A_1104 = arith.mulf %add3A_1103, %sub3A_1077 : vector<16xf32>
      %add3A_1105 = arith.constant 2.21597645E-7 : f32
      %add3A_1106 = vector.broadcast %add3A_1105 : f32 to vector<16xf32>
      %add3A_1107 = arith.addf %mul3A_1104, %add3A_1106 : vector<16xf32>
      %mul3A_1108 = arith.constant 0.693147182 : f32
      %mul3A_1109 = vector.broadcast %mul3A_1108 : f32 to vector<16xf32>
      %mul3A_1110 = arith.mulf %convert_element_type3A_1067, %mul3A_1109 : vector<16xf32>
      %add3A_1111 = arith.addf %mul3A_1110, %add3A_1107 : vector<16xf32>
      %add3A_1112 = arith.constant 9.99999993E-9 : f32
      %add3A_1113 = vector.broadcast %add3A_1112 : f32 to vector<16xf32>
      %add3A_1114 = arith.addf %gather3A_1056, %add3A_1113 : vector<16xf32>
      %bitcast3A_1115 = vector.bitcast %add3A_1114 : vector<16xf32> to vector<16xi32>
      %shift_right_arithmetic3A_1116 = arith.constant 23 : i32
      %shift_right_arithmetic3A_1117 = vector.broadcast %shift_right_arithmetic3A_1116 : i32 to vector<16xi32>
      %shift_right_arithmetic3A_1118 = arith.shrsi %bitcast3A_1115, %shift_right_arithmetic3A_1117 : vector<16xi32>
      %sub3A_1119 = arith.constant 127 : i32
      %sub3A_1120 = vector.broadcast %sub3A_1119 : i32 to vector<16xi32>
      %sub3A_1121 = arith.subi %shift_right_arithmetic3A_1118, %sub3A_1120 : vector<16xi32>
      %convert_element_type3A_1122 = arith.sitofp %sub3A_1121 : vector<16xi32> to vector<16xf32>
      %and3A_1123 = arith.constant 8388607 : i32
      %and3A_1124 = vector.broadcast %and3A_1123 : i32 to vector<16xi32>
      %and3A_1125 = arith.andi %bitcast3A_1115, %and3A_1124 : vector<16xi32>
      %or3A_1126 = arith.constant 1065353216 : i32
      %or3A_1127 = vector.broadcast %or3A_1126 : i32 to vector<16xi32>
      %or3A_1128 = arith.ori %and3A_1125, %or3A_1127 : vector<16xi32>
      %bitcast3A_1129 = vector.bitcast %or3A_1128 : vector<16xi32> to vector<16xf32>
      %sub3A_1130 = arith.constant 1.000000e+00 : f32
      %sub3A_1131 = vector.broadcast %sub3A_1130 : f32 to vector<16xf32>
      %sub3A_1132 = arith.subf %bitcast3A_1129, %sub3A_1131 : vector<16xf32>
      %broadcast_in_dim3A_1133 = arith.constant 0.0102438284 : f32
      %broadcast_in_dim3A_1134 = vector.broadcast %broadcast_in_dim3A_1133 : f32 to vector<16xf32>
      %mul3A_1135 = arith.mulf %broadcast_in_dim3A_1134, %sub3A_1132 : vector<16xf32>
      %add3A_1136 = arith.constant -0.0532674789 : f32
      %add3A_1137 = vector.broadcast %add3A_1136 : f32 to vector<16xf32>
      %add3A_1138 = arith.addf %mul3A_1135, %add3A_1137 : vector<16xf32>
      %mul3A_1139 = arith.mulf %add3A_1138, %sub3A_1132 : vector<16xf32>
      %add3A_1140 = arith.constant 0.131989658 : f32
      %add3A_1141 = vector.broadcast %add3A_1140 : f32 to vector<16xf32>
      %add3A_1142 = arith.addf %mul3A_1139, %add3A_1141 : vector<16xf32>
      %mul3A_1143 = arith.mulf %add3A_1142, %sub3A_1132 : vector<16xf32>
      %add3A_1144 = arith.constant -0.223966897 : f32
      %add3A_1145 = vector.broadcast %add3A_1144 : f32 to vector<16xf32>
      %add3A_1146 = arith.addf %mul3A_1143, %add3A_1145 : vector<16xf32>
      %mul3A_1147 = arith.mulf %add3A_1146, %sub3A_1132 : vector<16xf32>
      %add3A_1148 = arith.constant 0.327511728 : f32
      %add3A_1149 = vector.broadcast %add3A_1148 : f32 to vector<16xf32>
      %add3A_1150 = arith.addf %mul3A_1147, %add3A_1149 : vector<16xf32>
      %mul3A_1151 = arith.mulf %add3A_1150, %sub3A_1132 : vector<16xf32>
      %add3A_1152 = arith.constant -0.499333948 : f32
      %add3A_1153 = vector.broadcast %add3A_1152 : f32 to vector<16xf32>
      %add3A_1154 = arith.addf %mul3A_1151, %add3A_1153 : vector<16xf32>
      %mul3A_1155 = arith.mulf %add3A_1154, %sub3A_1132 : vector<16xf32>
      %add3A_1156 = arith.constant 0.999970257 : f32
      %add3A_1157 = vector.broadcast %add3A_1156 : f32 to vector<16xf32>
      %add3A_1158 = arith.addf %mul3A_1155, %add3A_1157 : vector<16xf32>
      %mul3A_1159 = arith.mulf %add3A_1158, %sub3A_1132 : vector<16xf32>
      %add3A_1160 = arith.constant 2.21597645E-7 : f32
      %add3A_1161 = vector.broadcast %add3A_1160 : f32 to vector<16xf32>
      %add3A_1162 = arith.addf %mul3A_1159, %add3A_1161 : vector<16xf32>
      %mul3A_1163 = arith.constant 0.693147182 : f32
      %mul3A_1164 = vector.broadcast %mul3A_1163 : f32 to vector<16xf32>
      %mul3A_1165 = arith.mulf %convert_element_type3A_1122, %mul3A_1164 : vector<16xf32>
      %add3A_1166 = arith.addf %mul3A_1165, %add3A_1162 : vector<16xf32>
      %mul3A_1167 = arith.mulf %add3A_1111, %div3A_7 : vector<16xf32>
      %exp3A_1168 = math.exp %mul3A_1167 : vector<16xf32>
      %mul3A_1169 = arith.mulf %add3A_1166, %div3A_7 : vector<16xf32>
      %exp3A_1170 = math.exp %mul3A_1169 : vector<16xf32>
      %add3A_1171 = arith.addf %add3A_1042, %exp3A_1168 : vector<16xf32>
      %add3A_1172 = arith.addf %add3A_1043, %exp3A_1170 : vector<16xf32>
      %sub3A_1173 = arith.subf %add3A_1111, %add3A_1166 : vector<16xf32>
      %mul3A_1174 = arith.mulf %exp3A_1168, %sub3A_1173 : vector<16xf32>
      %add3A_1175 = arith.addf %add3A_1046, %mul3A_1174 : vector<16xf32>
      %mul3A_1176 = arith.mulf %gather3A_1056, %add3A_1166 : vector<16xf32>
      %add3A_1177 = arith.addf %add3A_1048, %mul3A_1176 : vector<16xf32>
      scf.yield %add3A_1171, %add3A_1172, %add3A_1175, %add3A_1177 : vector<16xf32>, vector<16xf32>, vector<16xf32>, vector<16xf32>
    }
    %scan3A_22 = arith.constant 8 : i32
    %mul3A_23 = arith.mulf %scan3A_21#2, %div3A_7 : vector<16xf32>
    %div3A_24 = arith.divf %mul3A_23, %scan3A_21#0 : vector<16xf32>
    %bitcast3A = vector.bitcast %scan3A_21#0 : vector<16xf32> to vector<16xi32>
    %shift_right_arithmetic3A = arith.constant 23 : i32
    %shift_right_arithmetic3A_25 = vector.broadcast %shift_right_arithmetic3A : i32 to vector<16xi32>
    %shift_right_arithmetic3A_26 = arith.shrsi %bitcast3A, %shift_right_arithmetic3A_25 : vector<16xi32>
    %sub3A = arith.constant 127 : i32
    %sub3A_27 = vector.broadcast %sub3A : i32 to vector<16xi32>
    %sub3A_28 = arith.subi %shift_right_arithmetic3A_26, %sub3A_27 : vector<16xi32>
    %convert_element_type3A = arith.sitofp %sub3A_28 : vector<16xi32> to vector<16xf32>
    %and3A = arith.constant 8388607 : i32
    %and3A_29 = vector.broadcast %and3A : i32 to vector<16xi32>
    %and3A_30 = arith.andi %bitcast3A, %and3A_29 : vector<16xi32>
    %or3A = arith.constant 1065353216 : i32
    %or3A_31 = vector.broadcast %or3A : i32 to vector<16xi32>
    %or3A_32 = arith.ori %and3A_30, %or3A_31 : vector<16xi32>
    %bitcast3A_33 = vector.bitcast %or3A_32 : vector<16xi32> to vector<16xf32>
    %sub3A_34 = arith.constant 1.000000e+00 : f32
    %sub3A_35 = vector.broadcast %sub3A_34 : f32 to vector<16xf32>
    %sub3A_36 = arith.subf %bitcast3A_33, %sub3A_35 : vector<16xf32>
    %broadcast_in_dim3A_37 = arith.constant 0.0102438284 : f32
    %broadcast_in_dim3A_38 = vector.broadcast %broadcast_in_dim3A_37 : f32 to vector<16xf32>
    %mul3A_39 = arith.mulf %broadcast_in_dim3A_38, %sub3A_36 : vector<16xf32>
    %add3A_40 = arith.constant -0.0532674789 : f32
    %add3A_41 = vector.broadcast %add3A_40 : f32 to vector<16xf32>
    %add3A_42 = arith.addf %mul3A_39, %add3A_41 : vector<16xf32>
    %mul3A_43 = arith.mulf %add3A_42, %sub3A_36 : vector<16xf32>
    %add3A_44 = arith.constant 0.131989658 : f32
    %add3A_45 = vector.broadcast %add3A_44 : f32 to vector<16xf32>
    %add3A_46 = arith.addf %mul3A_43, %add3A_45 : vector<16xf32>
    %mul3A_47 = arith.mulf %add3A_46, %sub3A_36 : vector<16xf32>
    %add3A_48 = arith.constant -0.223966897 : f32
    %add3A_49 = vector.broadcast %add3A_48 : f32 to vector<16xf32>
    %add3A_50 = arith.addf %mul3A_47, %add3A_49 : vector<16xf32>
    %mul3A_51 = arith.mulf %add3A_50, %sub3A_36 : vector<16xf32>
    %add3A_52 = arith.constant 0.327511728 : f32
    %add3A_53 = vector.broadcast %add3A_52 : f32 to vector<16xf32>
    %add3A_54 = arith.addf %mul3A_51, %add3A_53 : vector<16xf32>
    %mul3A_55 = arith.mulf %add3A_54, %sub3A_36 : vector<16xf32>
    %add3A_56 = arith.constant -0.499333948 : f32
    %add3A_57 = vector.broadcast %add3A_56 : f32 to vector<16xf32>
    %add3A_58 = arith.addf %mul3A_55, %add3A_57 : vector<16xf32>
    %mul3A_59 = arith.mulf %add3A_58, %sub3A_36 : vector<16xf32>
    %add3A_60 = arith.constant 0.999970257 : f32
    %add3A_61 = vector.broadcast %add3A_60 : f32 to vector<16xf32>
    %add3A_62 = arith.addf %mul3A_59, %add3A_61 : vector<16xf32>
    %mul3A_63 = arith.mulf %add3A_62, %sub3A_36 : vector<16xf32>
    %add3A_64 = arith.constant 2.21597645E-7 : f32
    %add3A_65 = vector.broadcast %add3A_64 : f32 to vector<16xf32>
    %add3A_66 = arith.addf %mul3A_63, %add3A_65 : vector<16xf32>
    %mul3A_67 = arith.constant 0.693147182 : f32
    %mul3A_68 = vector.broadcast %mul3A_67 : f32 to vector<16xf32>
    %mul3A_69 = arith.mulf %convert_element_type3A, %mul3A_68 : vector<16xf32>
    %add3A_70 = arith.addf %mul3A_69, %add3A_66 : vector<16xf32>
    %sub3A_71 = arith.subf %div3A_24, %add3A_70 : vector<16xf32>
    %bitcast3A_72 = vector.bitcast %scan3A_21#1 : vector<16xf32> to vector<16xi32>
    %shift_right_arithmetic3A_73 = arith.constant 23 : i32
    %shift_right_arithmetic3A_74 = vector.broadcast %shift_right_arithmetic3A_73 : i32 to vector<16xi32>
    %shift_right_arithmetic3A_75 = arith.shrsi %bitcast3A_72, %shift_right_arithmetic3A_74 : vector<16xi32>
    %sub3A_76 = arith.constant 127 : i32
    %sub3A_77 = vector.broadcast %sub3A_76 : i32 to vector<16xi32>
    %sub3A_78 = arith.subi %shift_right_arithmetic3A_75, %sub3A_77 : vector<16xi32>
    %convert_element_type3A_79 = arith.sitofp %sub3A_78 : vector<16xi32> to vector<16xf32>
    %and3A_80 = arith.constant 8388607 : i32
    %and3A_81 = vector.broadcast %and3A_80 : i32 to vector<16xi32>
    %and3A_82 = arith.andi %bitcast3A_72, %and3A_81 : vector<16xi32>
    %or3A_83 = arith.constant 1065353216 : i32
    %or3A_84 = vector.broadcast %or3A_83 : i32 to vector<16xi32>
    %or3A_85 = arith.ori %and3A_82, %or3A_84 : vector<16xi32>
    %bitcast3A_86 = vector.bitcast %or3A_85 : vector<16xi32> to vector<16xf32>
    %sub3A_87 = arith.constant 1.000000e+00 : f32
    %sub3A_88 = vector.broadcast %sub3A_87 : f32 to vector<16xf32>
    %sub3A_89 = arith.subf %bitcast3A_86, %sub3A_88 : vector<16xf32>
    %broadcast_in_dim3A_90 = arith.constant 0.0102438284 : f32
    %broadcast_in_dim3A_91 = vector.broadcast %broadcast_in_dim3A_90 : f32 to vector<16xf32>
    %mul3A_92 = arith.mulf %broadcast_in_dim3A_91, %sub3A_89 : vector<16xf32>
    %add3A_93 = arith.constant -0.0532674789 : f32
    %add3A_94 = vector.broadcast %add3A_93 : f32 to vector<16xf32>
    %add3A_95 = arith.addf %mul3A_92, %add3A_94 : vector<16xf32>
    %mul3A_96 = arith.mulf %add3A_95, %sub3A_89 : vector<16xf32>
    %add3A_97 = arith.constant 0.131989658 : f32
    %add3A_98 = vector.broadcast %add3A_97 : f32 to vector<16xf32>
    %add3A_99 = arith.addf %mul3A_96, %add3A_98 : vector<16xf32>
    %mul3A_100 = arith.mulf %add3A_99, %sub3A_89 : vector<16xf32>
    %add3A_101 = arith.constant -0.223966897 : f32
    %add3A_102 = vector.broadcast %add3A_101 : f32 to vector<16xf32>
    %add3A_103 = arith.addf %mul3A_100, %add3A_102 : vector<16xf32>
    %mul3A_104 = arith.mulf %add3A_103, %sub3A_89 : vector<16xf32>
    %add3A_105 = arith.constant 0.327511728 : f32
    %add3A_106 = vector.broadcast %add3A_105 : f32 to vector<16xf32>
    %add3A_107 = arith.addf %mul3A_104, %add3A_106 : vector<16xf32>
    %mul3A_108 = arith.mulf %add3A_107, %sub3A_89 : vector<16xf32>
    %add3A_109 = arith.constant -0.499333948 : f32
    %add3A_110 = vector.broadcast %add3A_109 : f32 to vector<16xf32>
    %add3A_111 = arith.addf %mul3A_108, %add3A_110 : vector<16xf32>
    %mul3A_112 = arith.mulf %add3A_111, %sub3A_89 : vector<16xf32>
    %add3A_113 = arith.constant 0.999970257 : f32
    %add3A_114 = vector.broadcast %add3A_113 : f32 to vector<16xf32>
    %add3A_115 = arith.addf %mul3A_112, %add3A_114 : vector<16xf32>
    %mul3A_116 = arith.mulf %add3A_115, %sub3A_89 : vector<16xf32>
    %add3A_117 = arith.constant 2.21597645E-7 : f32
    %add3A_118 = vector.broadcast %add3A_117 : f32 to vector<16xf32>
    %add3A_119 = arith.addf %mul3A_116, %add3A_118 : vector<16xf32>
    %mul3A_120 = arith.constant 0.693147182 : f32
    %mul3A_121 = vector.broadcast %mul3A_120 : f32 to vector<16xf32>
    %mul3A_122 = arith.mulf %convert_element_type3A_79, %mul3A_121 : vector<16xf32>
    %add3A_123 = arith.addf %mul3A_122, %add3A_119 : vector<16xf32>
    %add3A_124 = arith.addf %sub3A_71, %add3A_123 : vector<16xf32>
    %add3A_125 = arith.addf %broadcast_in_dim3A_8, %add3A_124 : vector<16xf32>
    %add3A_126 = arith.addf %broadcast_in_dim3A_8, %scan3A_21#3 : vector<16xf32>
    %scan3A_127 = arith.constant 1 : i32
    %swap3A = arith.constant 0 : index
    %swap3A_128 = tpu.vector_load %arg9[%swap3A] {strides = array<i32>} : memref<128xf32, #tpu.memory_space<vmem>>, vector<16xf32>,
    tpu.vector_store %arg9[%swap3A], %add3A_125 {strides = array<i32>} : memref<128xf32, #tpu.memory_space<vmem>>, vector<16xf32>,
    %swap3A_129 = arith.constant 16 : index
    %swap3A_130 = tpu.vector_load %arg9[%swap3A_129] {strides = array<i32>} : memref<128xf32, #tpu.memory_space<vmem>>, vector<16xf32>,
    tpu.vector_store %arg9[%swap3A_129], %add3A_126 {strides = array<i32>} : memref<128xf32, #tpu.memory_space<vmem>>, vector<16xf32>,
    %swap3A_131 = arith.constant 32 : index
    %swap3A_132 = tpu.vector_load %arg9[%swap3A_131] {strides = array<i32>} : memref<128xf32, #tpu.memory_space<vmem>>, vector<16xf32>,
    tpu.vector_store %arg9[%swap3A_131], %broadcast_in_dim3A_8 {strides = array<i32>} : memref<128xf32, #tpu.memory_space<vmem>>, vector<16xf32>,
    %swap3A_133 = arith.constant 48 : index
    %swap3A_134 = tpu.vector_load %arg9[%swap3A_133] {strides = array<i32>} : memref<128xf32, #tpu.memory_space<vmem>>, vector<16xf32>,
    tpu.vector_store %arg9[%swap3A_133], %broadcast_in_dim3A_8 {strides = array<i32>} : memref<128xf32, #tpu.memory_space<vmem>>, vector<16xf32>,
    %swap3A_135 = arith.constant 64 : index
    %swap3A_136 = tpu.vector_load %arg9[%swap3A_135] {strides = array<i32>} : memref<128xf32, #tpu.memory_space<vmem>>, vector<16xf32>,
    tpu.vector_store %arg9[%swap3A_135], %broadcast_in_dim3A_8 {strides = array<i32>} : memref<128xf32, #tpu.memory_space<vmem>>, vector<16xf32>,
    %swap3A_137 = arith.constant 80 : index
    %swap3A_138 = tpu.vector_load %arg9[%swap3A_137] {strides = array<i32>} : memref<128xf32, #tpu.memory_space<vmem>>, vector<16xf32>,
    tpu.vector_store %arg9[%swap3A_137], %broadcast_in_dim3A_8 {strides = array<i32>} : memref<128xf32, #tpu.memory_space<vmem>>, vector<16xf32>,
    %swap3A_139 = arith.constant 96 : index
    %swap3A_140 = tpu.vector_load %arg9[%swap3A_139] {strides = array<i32>} : memref<128xf32, #tpu.memory_space<vmem>>, vector<16xf32>,
    tpu.vector_store %arg9[%swap3A_139], %broadcast_in_dim3A_8 {strides = array<i32>} : memref<128xf32, #tpu.memory_space<vmem>>, vector<16xf32>,
    %swap3A_141 = arith.constant 112 : index
    %swap3A_142 = tpu.vector_load %arg9[%swap3A_141] {strides = array<i32>} : memref<128xf32, #tpu.memory_space<vmem>>, vector<16xf32>,
    tpu.vector_store %arg9[%swap3A_141], %broadcast_in_dim3A_8 {strides = array<i32>} : memref<128xf32, #tpu.memory_space<vmem>>, vector<16xf32>,
    "tpu.region"() ({
      %run_scoped3A = tpu.sem_alloc : memref<!tpu.dma_semaphore, #tpu.memory_space<semaphore_mem>>
      %dma_start3A = arith.constant 0 : i32
      %dma_start3A_143 = tpu.memref_slice %arg5[%add3A, %dma_start3A] : memref<32x128xf32, #tpu.memory_space<hbm>> -> memref<1x128xf32, #tpu.memory_space<hbm>>
      %dma_start3A_144 = tpu.memref_squeeze %dma_start3A_143 : memref<1x128xf32, #tpu.memory_space<hbm>> -> memref<128xf32, #tpu.memory_space<hbm>>
      %dma_start3A_145 = arith.constant 0 : i32
      %dma_start3A_146 = tpu.memref_slice %arg5[%add3A, %dma_start3A_145] : memref<32x128xf32, #tpu.memory_space<hbm>> -> memref<1x128xf32, #tpu.memory_space<hbm>>
      %dma_start3A_147 = tpu.memref_squeeze %dma_start3A_146 : memref<1x128xf32, #tpu.memory_space<hbm>> -> memref<128xf32, #tpu.memory_space<hbm>>
      tpu.enqueue_dma source(%arg9 : memref<128xf32, #tpu.memory_space<vmem>>) target(%dma_start3A_147 : memref<128xf32, #tpu.memory_space<hbm>>) target_semaphore(%run_scoped3A : memref<!tpu.dma_semaphore, #tpu.memory_space<semaphore_mem>>)
      %dma_wait3A = arith.constant 0 : i32
      %dma_wait3A_148 = tpu.memref_slice %arg5[%add3A, %dma_wait3A] : memref<32x128xf32, #tpu.memory_space<hbm>> -> memref<1x128xf32, #tpu.memory_space<hbm>>
      %dma_wait3A_149 = tpu.memref_squeeze %dma_wait3A_148 : memref<1x128xf32, #tpu.memory_space<hbm>> -> memref<128xf32, #tpu.memory_space<hbm>>
      %dma_wait3A_150 = arith.constant 0 : i32
      %dma_wait3A_151 = tpu.memref_slice %arg5[%add3A, %dma_wait3A_150] : memref<32x128xf32, #tpu.memory_space<hbm>> -> memref<1x128xf32, #tpu.memory_space<hbm>>
      %dma_wait3A_152 = tpu.memref_squeeze %dma_wait3A_151 : memref<1x128xf32, #tpu.memory_space<hbm>> -> memref<128xf32, #tpu.memory_space<hbm>>
      tpu.wait_dma2 semaphore(%run_scoped3A : memref<!tpu.dma_semaphore, #tpu.memory_space<semaphore_mem>>) src(%arg9 : memref<128xf32, #tpu.memory_space<vmem>>) dst(%dma_wait3A_152 : memref<128xf32, #tpu.memory_space<hbm>>)
      tpu.yield
    }) : () -> ()
    return
  }
}

module attributes {stable_mosaic.version = 14 : i64} {
  func.func @_tc_kernel(%arg0: i32, %arg1: memref<1xf32, #tpu.memory_space<smem>>, %arg2: memref<7936x64xf32, #tpu.memory_space<vmem>>, %arg3: memref<7936x64xf32, #tpu.memory_space<vmem>>, %arg4: memref<2xf32, #tpu.memory_space<smem>>, %arg5: memref<2xf32, #tpu.memory_space<smem>>) attributes {dimension_semantics = [#tpu.dimension_semantics<arbitrary>], iteration_bounds = array<i64: 2>, scalar_prefetch = 0 : i64, scratch_operands = 1 : i64, tpu.core_type = #tpu.core_type<tc>, window_params = [{transform_indices = @transform_0, window_bounds = array<i64: 1>}, {transform_indices = @transform_1, window_bounds = array<i64: 7936, 64>}, {transform_indices = @transform_2, window_bounds = array<i64: 7936, 64>}, {transform_indices = @transform_3, window_bounds = array<i64: 2>}]} {
    %eq3A = arith.constant 0 : i32
    %eq3A_0 = arith.cmpi eq, %arg0, %eq3A : i32
    %convert_element_type3A = arith.extui %eq3A_0 : i1 to i32
    %cond3A = arith.constant 0 : i32
    %cond3A_1 = arith.cmpi ne, %convert_element_type3A, %cond3A : i32
    scf.if %cond3A_1 {
      %swap3A_59 = arith.constant 0.000000e+00 : f32
      %swap3A_60 = arith.constant 0 : index
      %swap3A_61 = memref.load %arg5[%swap3A_60] : memref<2xf32, #tpu.memory_space<smem>>
      memref.store %swap3A_59, %arg5[%swap3A_60] : memref<2xf32, #tpu.memory_space<smem>>
      %swap3A_62 = arith.constant 0.000000e+00 : f32
      %swap3A_63 = arith.constant 1 : index
      %swap3A_64 = memref.load %arg5[%swap3A_63] : memref<2xf32, #tpu.memory_space<smem>>
      memref.store %swap3A_62, %arg5[%swap3A_63] : memref<2xf32, #tpu.memory_space<smem>>
    } else {
    }
    %get3A = arith.constant 0 : index
    %get3A_2 = memref.load %arg1[%get3A] : memref<1xf32, #tpu.memory_space<smem>>
    %jit3A = arith.constant 5.000000e-01 : f32
    %jit3A_3 = arith.constant 1.500000e+00 : f32
    %max3A = arith.maximumf %jit3A, %get3A_2 : f32
    %min3A = arith.minimumf %jit3A_3, %max3A : f32
    %div3A = arith.constant 1.000000e+00 : f32
    %div3A_4 = arith.divf %div3A, %min3A : f32
    %get3A_5 = arith.constant 0 : index
    %get3A_6 = arith.constant 0 : index
    %get3A_7 = vector.load %arg2[%get3A_5, %get3A_6] : memref<7936x64xf32, #tpu.memory_space<vmem>>, vector<7936x64xf32>
    %get3A_8 = arith.constant 0 : index
    %get3A_9 = arith.constant 0 : index
    %get3A_10 = vector.load %arg3[%get3A_8, %get3A_9] : memref<7936x64xf32, #tpu.memory_space<vmem>>, vector<7936x64xf32>
    %add3A = arith.constant 9.99999993E-9 : f32
    %add3A_11 = vector.broadcast %add3A : f32 to vector<7936x64xf32>
    %add3A_12 = arith.addf %get3A_7, %add3A_11 : vector<7936x64xf32>
    %log3A = math.log %add3A_12 : vector<7936x64xf32>
    %add3A_13 = arith.constant 9.99999993E-9 : f32
    %add3A_14 = vector.broadcast %add3A_13 : f32 to vector<7936x64xf32>
    %add3A_15 = arith.addf %get3A_10, %add3A_14 : vector<7936x64xf32>
    %log3A_16 = math.log %add3A_15 : vector<7936x64xf32>
    %mul3A = vector.broadcast %div3A_4 : f32 to vector<7936x64xf32>
    %mul3A_17 = arith.mulf %log3A, %mul3A : vector<7936x64xf32>
    %exp3A = math.exp %mul3A_17 : vector<7936x64xf32>
    %mul3A_18 = vector.broadcast %div3A_4 : f32 to vector<7936x64xf32>
    %mul3A_19 = arith.mulf %log3A_16, %mul3A_18 : vector<7936x64xf32>
    %exp3A_20 = math.exp %mul3A_19 : vector<7936x64xf32>
    %reduce_sum3A = arith.constant dense<0.000000e+00> : vector<7936xf32>
    %reduce_sum3A_21 = vector.multi_reduction <add>, %exp3A, %reduce_sum3A [1] : vector<7936x64xf32> to vector<7936xf32>
    %reduce_sum3A_22 = arith.constant dense<0.000000e+00> : vector<7936xf32>
    %reduce_sum3A_23 = vector.multi_reduction <add>, %exp3A_20, %reduce_sum3A_22 [1] : vector<7936x64xf32> to vector<7936xf32>
    %sub3A = arith.subf %log3A, %log3A_16 : vector<7936x64xf32>
    %mul3A_24 = arith.mulf %exp3A, %sub3A : vector<7936x64xf32>
    %reduce_sum3A_25 = arith.constant dense<0.000000e+00> : vector<7936xf32>
    %reduce_sum3A_26 = vector.multi_reduction <add>, %mul3A_24, %reduce_sum3A_25 [1] : vector<7936x64xf32> to vector<7936xf32>
    %mul3A_27 = vector.broadcast %div3A_4 : f32 to vector<7936xf32>
    %mul3A_28 = arith.mulf %reduce_sum3A_26, %mul3A_27 : vector<7936xf32>
    %div3A_29 = arith.divf %mul3A_28, %reduce_sum3A_21 : vector<7936xf32>
    %log3A_30 = math.log %reduce_sum3A_21 : vector<7936xf32>
    %sub3A_31 = arith.subf %div3A_29, %log3A_30 : vector<7936xf32>
    %log3A_32 = math.log %reduce_sum3A_23 : vector<7936xf32>
    %add3A_33 = arith.addf %sub3A_31, %log3A_32 : vector<7936xf32>
    %get3A_34 = arith.constant 0 : index
    %get3A_35 = memref.load %arg5[%get3A_34] : memref<2xf32, #tpu.memory_space<smem>>
    %reduce_sum3A_36 = vector.shape_cast %add3A_33 : vector<7936xf32> to vector<1x7936xf32>
    %reduce_sum3A_37 = arith.constant dense<0.000000e+00> : vector<1xf32>
    %reduce_sum3A_38 = vector.multi_reduction <add>, %reduce_sum3A_36, %reduce_sum3A_37 [1] : vector<1x7936xf32> to vector<1xf32>
    %reduce_sum3A_39 = vector.shape_cast %reduce_sum3A_38 : vector<1xf32> to vector<1x1xf32>
    %reduce_sum3A_40 = vector.extract %reduce_sum3A_39[0, 0] : f32 from vector<1x1xf32>
    %add3A_41 = arith.addf %get3A_35, %reduce_sum3A_40 : f32
    %swap3A = arith.constant 0 : index
    %swap3A_42 = memref.load %arg5[%swap3A] : memref<2xf32, #tpu.memory_space<smem>>
    memref.store %add3A_41, %arg5[%swap3A] : memref<2xf32, #tpu.memory_space<smem>>
    %get3A_43 = arith.constant 1 : index
    %get3A_44 = memref.load %arg5[%get3A_43] : memref<2xf32, #tpu.memory_space<smem>>
    %mul3A_45 = arith.mulf %get3A_10, %log3A_16 : vector<7936x64xf32>
    %reduce_sum3A_46 = vector.shape_cast %mul3A_45 : vector<7936x64xf32> to vector<1x7936x64xf32>
    %reduce_sum3A_47 = arith.constant dense<0.000000e+00> : vector<1xf32>
    %reduce_sum3A_48 = vector.multi_reduction <add>, %reduce_sum3A_46, %reduce_sum3A_47 [1, 2] : vector<1x7936x64xf32> to vector<1xf32>
    %reduce_sum3A_49 = vector.shape_cast %reduce_sum3A_48 : vector<1xf32> to vector<1x1x1xf32>
    %reduce_sum3A_50 = vector.extract %reduce_sum3A_49[0, 0, 0] : f32 from vector<1x1x1xf32>
    %add3A_51 = arith.addf %get3A_44, %reduce_sum3A_50 : f32
    %swap3A_52 = arith.constant 1 : index
    %swap3A_53 = memref.load %arg5[%swap3A_52] : memref<2xf32, #tpu.memory_space<smem>>
    memref.store %add3A_51, %arg5[%swap3A_52] : memref<2xf32, #tpu.memory_space<smem>>
    %eq3A_54 = arith.constant 1 : i32
    %eq3A_55 = arith.cmpi eq, %arg0, %eq3A_54 : i32
    %convert_element_type3A_56 = arith.extui %eq3A_55 : i1 to i32
    %cond3A_57 = arith.constant 0 : i32
    %cond3A_58 = arith.cmpi ne, %convert_element_type3A_56, %cond3A_57 : i32
    scf.if %cond3A_58 {
      %get3A_59 = arith.constant 0 : index
      %get3A_60 = memref.load %arg5[%get3A_59] : memref<2xf32, #tpu.memory_space<smem>>
      %swap3A_61 = arith.constant 0 : index
      %swap3A_62 = memref.load %arg4[%swap3A_61] : memref<2xf32, #tpu.memory_space<smem>>
      memref.store %get3A_60, %arg4[%swap3A_61] : memref<2xf32, #tpu.memory_space<smem>>
      %get3A_63 = arith.constant 1 : index
      %get3A_64 = memref.load %arg5[%get3A_63] : memref<2xf32, #tpu.memory_space<smem>>
      %swap3A_65 = arith.constant 1 : index
      %swap3A_66 = memref.load %arg4[%swap3A_65] : memref<2xf32, #tpu.memory_space<smem>>
      memref.store %get3A_64, %arg4[%swap3A_65] : memref<2xf32, #tpu.memory_space<smem>>
    } else {
    }
    return
  }
  func.func @transform_0(%arg0: i32) -> i32 {
    %c0_i32 = arith.constant 0 : i32
    %c0_i32_0 = arith.constant 0 : i32
    return %c0_i32 : i32
  }
  func.func @transform_1(%arg0: i32) -> (i32, i32) {
    %c0_i32 = arith.constant 0 : i32
    %c0_i32_0 = arith.constant 0 : i32
    return %arg0, %c0_i32 : i32, i32
  }
  func.func @transform_2(%arg0: i32) -> (i32, i32) {
    %c0_i32 = arith.constant 0 : i32
    %c0_i32_0 = arith.constant 0 : i32
    return %arg0, %c0_i32 : i32, i32
  }
  func.func @transform_3(%arg0: i32) -> i32 {
    %c0_i32 = arith.constant 0 : i32
    %c0_i32_0 = arith.constant 0 : i32
    return %c0_i32 : i32
  }
}

</mosaic_0001>

<sc_bundles>
// kernel: kernel.4.cloned.1.call-start
scs
__scs_entry_jumppad:
0x0: {  	(pc) =	sbr.rel $0x88, $3  }
0x1: {  	(tag) =	ssettag $0x0;
	lr =	simm.s32 $0x1  }
0x2: {  	[smem:$0x3F9E] =	sst lr;
	_ =	strace $0xD0000000  }
0x3: {  	_ = 	snop  }
0x4: {  	_ = 	snop  }
0x5: {  	_ = 	snop  }
0x6: {  	_ = 	snop  }
0x7: {  	_ = 	snop  }
__scs_overlays_trampoline_lowered:
0x8: {  	[smem:$0x3FAD] =	sst s0  }
0x9: {  	[smem:$0x3FAE] =	sst s1  }
0xa: {  	[smem:$0x3FAF] =	sst s2  }
0xb: {  	[smem:$0x3FB0] =	sst s3  }
0xc: {  	[smem:$0x3FB1] =	sst s4  }
0xd: {  	[smem:$0x3FB2] =	sst s5  }
0xe: {  	[smem:$0x3FB3] =	sst s6  }
0xf: {  	[smem:$0x3FB4] =	sst s7  }
0x10: {  	[smem:$0x3FB5] =	sst s8  }
0x11: {  	[smem:$0x3FB6] =	sst s9;
	s0 =	simm.s32 @!p0 $0x0  }
0x12: {  	s1 =	sld [smem:$0x3F9C];
	s0 =	simm.s32 @p0 $0x1  }
0x13: {  	[smem:$0x3FB7] =	sst s0;
	s0 =	simm.s32 @!p1 $0x0  }
0x14: {  	s2 =	sld [smem:$0x3F9B];
	s0 =	simm.s32 @p1 $0x1  }
0x15: {  	[smem:$0x3FB8] =	sst s0;
	s0 =	simm.s32 @!p2 $0x0  }
0x16: {  	s3 =	sld [smem:$0x3FDB];
	s0 =	simm.s32 @p2 $0x1  }
0x17: {  	s4 =	simm.s32 $0x1BF5;
	[smem:$0x3FBA] =	sst s0  }
0x18: {  	s0 =	sld [smem:$0x3F9D];
	_ =	swait.ge [sflag:s4], $0x0  }
0x19: {  	s7 =	sld [smem:$0x3F9E]  }
0x1a: {  	s8 =	sadd.s32 $0xFFFFE003, lr  }
0x1b: {  	s9 =	sadd.s32 $0xFFFFFEF7, lr;
	s5 =	simm.s32 $0xFFFFFFFF;
	p2 =	slt.u32 s8, $0xFFFFF086  }
0x1c: {  	p1 =	slt.u32 s9, $0xF7A;
	s5 =	simm.s32 @!p2 $0x0  }
0x1d: {  	s5 =	simm.s32 @p1 $0x1;
	p0 =	seq.s32 s7, s2  }
0x1e: {  	s7 =	smul.u32 @!p0 $0xF7A, s2;
	p2 =	seq.s32 @!p0 s5, $0x0  }
0x1f: {  	s9 =	smul.u32 $0xF7A, s1;
	s8 =	simm.s32 @!p0 $0x1BF5;
	p2 =	por !p2, p0  }
0x20: {  	[sflag:s8] =	ssyncset.s32 @!p0 $0xFFFFF086;
	s6 =	sadd.s32 @!p0 s3, s7;
	s7 =	simm.s32 @!p0 $0x108  }
0x21: {  	s3 =	sadd.s32 s3, s9;
	s6 =	sadd.s32 @!p0 $0x88, s6;
	s7 =	simm.s32 @p2 $0x1082  }
0x22: {  	[simem:s7], [sflag:s8] =	dma.local @!p0 [hbm:s6], $0xF7A  }
0x23: {  	s9 =	sor.u32 $0xD0000000, s2;
	s6 =	simm.s32 $0x108;
	_ =	swait.ge @!p0 [sflag:s8], $0x0  }
0x24: {  	s3 =	sadd.s32 $0x88, s3;
	s6 =	simm.s32 @!p1 $0x1082;
	[sflag:s4] =	ssyncset.s32 $0xFFFFF086  }
0x25: {  	[simem:s6], [sflag:s4] =	dma.local [hbm:s3], $0xF7A  }
0x26: {  	[smem:$0x3F9E] =	sst s1;
	(tag) =	ssettag s2;
	_ =	strace s9  }
0x27: {  	s1 =	sld [smem:$0x3FAE]  }
0x28: {  	s2 =	sld [smem:$0x3FAF]  }
0x29: {  	s4 =	sld [smem:$0x3FB1]  }
0x2a: {  	p0 =	seq.s32 s5, $0x0;
	s5 =	sld [smem:$0x3FB2]  }
0x2b: {  	s6 =	sld [smem:$0x3FB3]  }
0x2c: {  	s7 =	sld [smem:$0x3FB4]  }
0x2d: {  	s3 =	simm.s32 $0x108;
	s8 =	sld [smem:$0x3FB5]  }
0x2e: {  	s3 =	simm.s32 @!p0 $0x1082;
	s9 =	sld [smem:$0x3FB6]  }
0x2f: {  	lr =	sadd.s32 s0, s3;
	s0 =	sld [smem:$0x3FAD]  }
0x30: {  	s3 =	sld [smem:$0x3FB0]  }
0x31: {  	[smem:$0x3FB9] =	sst s10  }
0x32: {  	s10 =	sld [smem:$0x3FB7];
	_ =	sdelay $0x3  }
0x33: {  	p0 =	seq.s32 s10, $0x1;
	s10 =	sld [smem:$0x3FB9];
	_ =	sdelay $0x3  }
0x34: {  	[smem:$0x3FB9] =	sst s10  }
0x35: {  	s10 =	sld [smem:$0x3FB8];
	_ =	sdelay $0x3  }
0x36: {  	p1 =	seq.s32 s10, $0x1;
	s10 =	sld [smem:$0x3FB9];
	_ =	sdelay $0x3  }
0x37: {  	[smem:$0x3FB9] =	sst s10  }
0x38: {  	s10 =	sld [smem:$0x3FBA]  }
0x39: {  	_ = 	snop;
	(pc) =	sbr.ind lr, $3  }
0x3a: {  	_ = 	snop  }
0x3b: {  	_ = 	snop  }
0x3c: {  	p2 =	seq.s32 s10, $0x1;
	s10 =	sld [smem:$0x3FB9]  }
0x3d: {  	_ =	shalt  }
0x3e: {  	_ =	shalt  }
0x3f: {  	_ =	shalt  }
0x40: {  	_ =	shalt  }
0x41: {  	_ =	shalt  }
0x42: {  	_ =	shalt  }
0x43: {  	_ =	shalt  }
0x44: {  	_ =	shalt  }
0x45: {  	_ =	shalt  }
0x46: {  	_ =	shalt  }
0x47: {  	_ =	shalt  }
0x48: {  	_ =	shalt  }
0x49: {  	_ =	shalt  }
0x4a: {  	_ =	shalt  }
0x4b: {  	_ =	shalt  }
0x4c: {  	_ =	shalt  }
0x4d: {  	_ =	shalt  }
0x4e: {  	_ =	shalt  }
0x4f: {  	_ =	shalt  }
0x50: {  	_ =	shalt  }
0x51: {  	_ =	shalt  }
0x52: {  	_ =	shalt  }
0x53: {  	_ =	shalt  }
0x54: {  	_ =	shalt  }
0x55: {  	_ =	shalt  }
0x56: {  	_ =	shalt  }
0x57: {  	_ =	shalt  }
0x58: {  	_ =	shalt  }
0x59: {  	_ =	shalt  }
0x5a: {  	_ =	shalt  }
0x5b: {  	_ =	shalt  }
0x5c: {  	_ =	shalt  }
0x5d: {  	_ =	shalt  }
0x5e: {  	_ =	shalt  }
0x5f: {  	_ =	shalt  }
0x60: {  	_ =	shalt  }
0x61: {  	_ =	shalt  }
0x62: {  	_ =	shalt  }
0x63: {  	_ =	shalt  }
0x64: {  	_ =	shalt  }
0x65: {  	_ =	shalt  }
0x66: {  	_ =	shalt  }
0x67: {  	_ =	shalt  }
0x68: {  	_ =	shalt  }
0x69: {  	_ =	shalt  }
0x6a: {  	_ =	shalt  }
0x6b: {  	_ =	shalt  }
0x6c: {  	_ =	shalt  }
0x6d: {  	_ =	shalt  }
0x6e: {  	_ =	shalt  }
0x6f: {  	_ =	shalt  }
0x70: {  	_ =	shalt  }
0x71: {  	_ =	shalt  }
0x72: {  	_ =	shalt  }
0x73: {  	_ =	shalt  }
0x74: {  	_ =	shalt  }
0x75: {  	_ =	shalt  }
0x76: {  	_ =	shalt  }
0x77: {  	_ =	shalt  }
0x78: {  	_ =	shalt  }
0x79: {  	_ =	shalt  }
0x7a: {  	_ =	shalt  }
0x7b: {  	_ =	shalt  }
0x7c: {  	_ =	shalt  }
0x7d: {  	_ =	shalt  }
0x7e: {  	_ =	shalt  }
0x7f: {  	_ =	shalt  }
0x80: {  	_ =	shalt  }
0x81: {  	_ =	shalt  }
0x82: {  	_ =	shalt  }
0x83: {  	_ =	shalt  }
0x84: {  	_ =	shalt  }
0x85: {  	_ =	shalt  }
0x86: {  	_ =	shalt  }
0x87: {  	_ =	shalt  }
.Lfunc_end0:
.L_simem_size_0:
called_computation_lowered:
.L_overlay_start_0:
0x88: {  	s2 =	sld [smem:$0x3FD9]  }
0x89: {  	s3 =	sld [smem:$0x3FFE];
	_ =	sdelay $0x1  }
0x8a: {  	s1 =	srdreg.scid  }
0x8b: {  	s0 =	sand.u32 $0x1, s1  }
0x8c: {  	s16 =	sshll.u32 s0, $0xA;
	s2 =	sadd.s32 s3, s2  }
0x8d: {  	s2 =	sadd.s32 s2, s16  }
0x8e: {  	[smem:$0x3FC5] =	sst s2  }
0x8f: {  	_ = 	snop  }
0x90: {  	(tm) =	ssettm $0x1  }
0x91: {  	s17 =	sld [smem:$0x3FFB];
	_ =	sdelay $0x3  }
0x92: {  	_ =	strace s17  }
0x93: {  	s2 =	sld [smem:$0x3FFC];
	_ =	sdelay $0x3  }
0x94: {  	_ =	strace s2  }
0x95: {  	s2 =	sld [smem:$0x3FFD];
	_ =	sdelay $0x3  }
0x96: {  	_ =	strace s2  }
0x97: {  	_ =	strace $0x8FFFFFFF  }
0x98: {  	s18 =	sld [smem:$0x3FDB];
	_ =	sdelay $0x1  }
0x99: {  	s19 =	simm.s32 $_scs_section_size  }
0x9a: {  	s4 =	simm.s32 $_size__tile_overlayer_lowered;
	s5 =	simm.s32 $_tile_overlayer_lowered  }
0x9b: {  	s22 =	simm.s32 $0x1BFF;
	s21 =	sshll.u32 s5, $0x1;
	s2 =	sadd.s32 s19, s18  }
0x9c: {  	s6 =	simm.s32 $0x0;
	s20 =	sshll.u32 s4, $0x1;
	s4 =	sadd.s32 s21, s2  }
0x9d: {  	[timem:s6], [sflag:s22] =	dma.local [hbm:s4], s20  }
0x9e: {  	_ =	swait.ge [sflag:s22], s20  }
0x9f: {  	s3 =	ssub.s32 $0x0, s20;
	[sflag:s22] =	ssyncset.done $0x0  }
0xa0: {  	[sflag:s22] =	ssyncadd.s32 s3;
	_ =	sdelay $0x1  }
0xa1: {  	s23 =	simm.s32 $0x1B8B  }
0xa2: {  	_ =	swait.ge [sflag:s23], $0x1  }
0xa3: {  	[sflag:s23] =	ssyncset.done $0x0  }
0xa4: {  	s25 =	simm.s32 $0x1B8E;
	s24 =	sld [smem:$0x3FFE];
	[sflag:s23] =	ssyncadd.s32 $0xFFFFFFFF  }
0xa5: {  	s26 =	simm.s32 $execute0_lowered;
	[smem:$0x3FD2] =	sst s25  }
0xa6: {  	s4 =	sshll.u32 s26, $0x1;
	_ =	strace $0x80000046;
	[dreg:$0x1] =	wrdreg $0xFFFFFFFF  }
0xa7: {  	s28 =	simm.s32 $_size_execute0_lowered;
	s2 =	sadd.s32 s2, s4;
	[dreg:$0x0] =	wrdreg $0x0  }
0xa8: {  	s4 =	sshll.u32 s28, $0x1;
	[dreg:$0x2] =	wrdreg s2  }
0xa9: {  	[dreg:$0x3] =	wrdreg s4  }
0xaa: {  	[dreg:$0x4] =	wrdreg $0xC0  }
0xab: {  	_ =	task [dreg:s6], $0x5FFFF  }
0xac: {  	[dreg:$0x1] =	wrdreg $0xFFFFFFFF  }
0xad: {  	[dreg:$0x0] =	wrdreg $0x60  }
0xae: {  	[dreg:$0x2] =	wrdreg s24  }
0xaf: {  	[dreg:$0x3] =	wrdreg $0x9  }
0xb0: {  	_ =	task.clear_ibuf [dreg:s6], $0x4FFFF;
	_ =	strace $0x90000046  }
0xb1: {  	s29 =	simm.s32 $0x9;
	_ =	strace $0x80000048  }
0xb2: {  	_ =	swait.ge [sflag:s29], $0x1  }
0xb3: {  	[sflag:s29] =	ssyncadd.s32 $0xFFFFFFFF  }
0xb4: {  	_ =	strace $0x90000048  }
0xb5: {  	_ =	sfence  }
0xb6: {  	s30 =	sld [smem:$0x0];
	_ =	sdelay $0x2  }
0xb7: {  	s31 =	sshll.u32 s1, $0xD;
	s1 =	sshrl.u32 s1, $0x2  }
0xb8: {  	s3 =	sand.u32 $0x4000, s31;
	s1 =	sadd.s32 s1, s30  }
0xb9: {  	s0 =	sor.u32 s3, s0;
	s1 =	sshll.u32 s1, $0x11  }
0xba: {  	s0 =	sor.u32 s1, s0  }
0xbb: {  	s0 =	sadd.s32 $0x8F2B, s0  }
0xbc: {  	[sflag:s0] =	ssyncadd.remote.s32 $0x1  }
0xbd: {  	_ =	sfence.sel $0xFFFF  }
0xbe: {  	[dreg:$0x0] =	wrdreg $0xFFFFFFFF;
	(pc) =	sbr.abs _section_cstart, $3  }
0xbf: {  	[dreg:$0x1] =	wrdreg $0xFFFFFFFF  }
0xc0: {  	_ =	task.clear_ibuf [dreg:s6], $0x2FFFF;
	_ =	strace $0x9FFFFFFF  }
0xc1: {  	(tm) =	ssettm $0x7FFFFFFF  }
tec
execute0_lowered:
.L_overlay_start_1:
0x0: {  	(tag) =	ssettag $0x1  }
0x1: {  	v0 =	vlaneseq.u32  }
0x2: {  	s4 =	rddreg [dreg:$0x0];
	s2 =	simm.s32 $0x0;
	v5 =	vmul.u32 $0x80, v0  }
0x3: {  	[smem:$0x7FF] =	sst s2  }
0x4: {  	s0 =	rddreg [dreg:$0x1];
	s3 =	srdreg.scid;
	_ =	strace $0x80000047;
	v1 =	vor.u32 $0x6, v5;
	[tilespmem:$0x1FFD0] =	vst v5  }
0x5: {  	s1 =	stileid.u32;
	s10 =	simm.s32 $0x800;
	s11 =	simm.s32 $0x1080;
	v2 =	vor.u32 $0x5, v5;
	[tilespmem:$0x1FF80] =	vst v1  }
0x6: {  	s12 =	simm.s32 $0x0;
	s3 =	sand.u32 $0x1, s3;
	s5 =	sshll.u32 s1, $0x1;
	v3 =	vor.u32 $0x4, v5;
	[tilespmem:$0x1FF90] =	vst v2  }
0x7: {  	s5 =	sor.u32 s3, s5;
	s7 =	ssub.s32 $0x2, s3;
	s3 =	sadd.s32 $0x80A00, s4;
	v4 =	vor.u32 $0x3, v5;
	[tilespmem:$0x1FFA0] =	vst v3  }
0x8: {  	s6 =	sshll.u32 s5, $0x8;
	s5 =	sshll.u32 s5, $0x4;
	s8 =	sshrl.u32 s7, $0x1;
	v8 =	vor.u32 $0x7, v5;
	[tilespmem:$0x1FFB0] =	vst v4  }
0x9: {  	v6 =	vor.u32 $0x1, v5;
	s6 =	sadd.s32 s6, s4;
	s9 =	sadd.s32 s5, s4;
	s7 =	ssub.s32 s7, s8;
	[tilespmem:$0x1FFC0] =	vst v8  }
0xa: {  	v7 =	vor.u32 $0x2, v5;
	s8 =	simm.s32 $0x1000;
	[tilespmem:$0x1FFE0] =	vst v6;
	s4 =	sadd.s32 $0x3EA00, s6;
	s5 =	sadd.s32 $0x7EA00, s6  }
0xb: {  	[tilespmem:$0x1FFF0] =	vst v7;
	s6 =	sadd.s32 $0x80C00, s9;
	s7 =	smax.u32 s7, $0x1;
	s9 =	simm.s32 $0x1  }
.LBB2_1:
0xc: {  	[tilespmem:s8], [sflag:$0x1] =	stream.linear.gather [hbm4b:s3+s2], $0x80, $0x38;
	[tilespmem:$0x1100] =	vst v63  }
0xd: {  	_ =	swait.ge [sflag:s9], $0x80  }
0xe: {  	[sflag:s9] =	ssyncset.done $0x0  }
0xf: {  	[sflag:s9] =	ssyncadd.s32 $0xFFFFFF80  }
0x10: {  	v0 =	vld [tilespmem:$0x1000];
	_ =	sdelay $0x4  }
0x11: {  	(erf) = vrcp.f32 v0;
	_ =	sdelay $0x8  }
0x12: {  	[tilespmem:s2], [sflag:$0x1] =	stream.linear.gather [hbm4b:s4+s2], $0x800, $0x38;
	v9 =	vpop (erf);
	[tilespmem:$0x1100] =	vst v63  }
0x13: {  	_ =	swait.ge [sflag:s9], $0x800  }
0x14: {  	[sflag:s9] =	ssyncset.done $0x0  }
0x15: {  	v0 =	vor.u32 s2, v8;
	[sflag:s9] =	ssyncadd.s32 $0xFFFFF800  }
0x16: {  	v1 =	vor.u32 s2, v1;
	[tilespmem:s10], [sflag:$0x1] =	stream.linear.gather [hbm4b:s5+s2], $0x800, $0x38;
	[tilespmem:$0x1100] =	vst v63  }
0x17: {  	_ =	swait.ge [sflag:s9], $0x800  }
0x18: {  	v2 =	vor.u32 s2, v2;
	[sflag:s9] =	ssyncset.done $0x0  }
0x19: {  	[sflag:s9] =	ssyncadd.s32 $0xFFFFF800  }
0x1a: {  	v3 =	vor.u32 s2, v3;
	v10 =	vld.idx.msk [tilespmem:v0+s10+$0x0], $0xffff  }
0x1b: {  	v11 =	vld.idx.msk [tilespmem:v1+s10+$0x0], $0xffff  }
0x1c: {  	v4 =	vor.u32 s2, v4;
	v0 =	vld.idx.msk [tilespmem:v0+s2+$0x0], $0xffff  }
0x1d: {  	v13 =	vld.idx.msk [tilespmem:v2+s10+$0x0], $0xffff  }
0x1e: {  	v8 =	vor.u32 s2, v7;
	v1 =	vld.idx.msk [tilespmem:v1+s2+$0x0], $0xffff  }
0x1f: {  	v12 =	vld.idx.msk [tilespmem:v3+s10+$0x0], $0xffff  }
0x20: {  	v18 =	vor.u32 s2, v6;
	v2 =	vld.idx.msk [tilespmem:v2+s2+$0x0], $0xffff  }
0x21: {  	v14 =	vld.idx.msk [tilespmem:v4+s10+$0x0], $0xffff  }
0x22: {  	v19 =	vor.u32 s2, v5;
	v3 =	vld.idx.msk [tilespmem:v3+s2+$0x0], $0xffff  }
0x23: {  	v15 =	vld.idx.msk [tilespmem:v8+s10+$0x0], $0xffff  }
0x24: {  	v4 =	vld.idx.msk [tilespmem:v4+s2+$0x0], $0xffff  }
0x25: {  	v16 =	vld.idx.msk [tilespmem:v18+s10+$0x0], $0xffff  }
0x26: {  	v8 =	vld.idx.msk [tilespmem:v8+s2+$0x0], $0xffff  }
0x27: {  	v17 =	vld.idx.msk [tilespmem:v19+s10+$0x0], $0xffff;
	v20 =	vadd.f32 $9.999999930e-09, v10;
	v21 =	vadd.f32 $9.999999930e-09, v11  }
0x28: {  	v18 =	vld.idx.msk [tilespmem:v18+s2+$0x0], $0xffff;
	v0 =	vadd.f32 $9.999999930e-09, v0;
	v22 =	vadd.f32 $9.999999930e-09, v13  }
0x29: {  	v19 =	vld.idx.msk [tilespmem:v19+s2+$0x0], $0xffff;
	v1 =	vadd.f32 $9.999999930e-09, v1;
	v23 =	vadd.f32 $9.999999930e-09, v12  }
0x2a: {  	v2 =	vadd.f32 $9.999999930e-09, v2;
	v24 =	vadd.f32 $9.999999930e-09, v14  }
0x2b: {  	v3 =	vadd.f32 $9.999999930e-09, v3;
	v25 =	vadd.f32 $9.999999930e-09, v15  }
0x2c: {  	v4 =	vadd.f32 $9.999999930e-09, v4;
	v26 =	vadd.f32 $9.999999930e-09, v16  }
0x2d: {  	v8 =	vadd.f32 $9.999999930e-09, v8;
	v27 =	vadd.f32 $9.999999930e-09, v17  }
0x2e: {  	v18 =	vadd.f32 $9.999999930e-09, v18;
	v19 =	vadd.f32 $9.999999930e-09, v19  }
0x2f: {  	v28 =	vshra.s32 v21, $0x17;
	v29 =	vshra.s32 v20, $0x17;
	v30 =	vshra.s32 v22, $0x17  }
0x30: {  	v31 =	vshra.s32 v1, $0x17;
	v32 =	vshra.s32 v0, $0x17;
	v33 =	vshra.s32 v24, $0x17  }
0x31: {  	v34 =	vshra.s32 v23, $0x17;
	v35 =	vshra.s32 v2, $0x17;
	v36 =	vshra.s32 v25, $0x17  }
0x32: {  	v37 =	vshra.s32 v4, $0x17;
	v38 =	vshra.s32 v3, $0x17;
	v39 =	vshra.s32 v27, $0x17  }
0x33: {  	v40 =	vshra.s32 v26, $0x17;
	v41 =	vshra.s32 v8, $0x17;
	v42 =	vshra.s32 v19, $0x17  }
0x34: {  	v43 =	vshra.s32 v18, $0x17;
	v20 =	vand.u32 $0x7FFFFF, v20;
	v22 =	vand.u32 $0x7FFFFF, v22  }
0x35: {  	v21 =	vand.u32 $0x7FFFFF, v21;
	v0 =	vand.u32 $0x7FFFFF, v0;
	v23 =	vand.u32 $0x7FFFFF, v23  }
0x36: {  	v2 =	vand.u32 $0x7FFFFF, v2;
	v1 =	vand.u32 $0x7FFFFF, v1;
	v25 =	vand.u32 $0x7FFFFF, v25  }
0x37: {  	v24 =	vand.u32 $0x7FFFFF, v24;
	v3 =	vand.u32 $0x7FFFFF, v3;
	v26 =	vand.u32 $0x7FFFFF, v26  }
0x38: {  	v8 =	vand.u32 $0x7FFFFF, v8;
	v4 =	vand.u32 $0x7FFFFF, v4;
	v19 =	vand.u32 $0x7FFFFF, v19  }
0x39: {  	v27 =	vand.u32 $0x7FFFFF, v27;
	v18 =	vand.u32 $0x7FFFFF, v18;
	v28 =	vadd.s32 $0xFFFFFF81, v28  }
0x3a: {  	v32 =	vadd.s32 $0xFFFFFF81, v32;
	v29 =	vadd.s32 $0xFFFFFF81, v29;
	v34 =	vadd.s32 $0xFFFFFF81, v34  }
0x3b: {  	v30 =	vadd.s32 $0xFFFFFF81, v30;
	v31 =	vadd.s32 $0xFFFFFF81, v31;
	v33 =	vadd.s32 $0xFFFFFF81, v33  }
0x3c: {  	v38 =	vadd.s32 $0xFFFFFF81, v38;
	v35 =	vadd.s32 $0xFFFFFF81, v35;
	v40 =	vadd.s32 $0xFFFFFF81, v40  }
0x3d: {  	v36 =	vadd.s32 $0xFFFFFF81, v36;
	v37 =	vadd.s32 $0xFFFFFF81, v37;
	v39 =	vadd.s32 $0xFFFFFF81, v39  }
0x3e: {  	v44 =	vadd.s32 $0xFFFFFF81, v43;
	v41 =	vadd.s32 $0xFFFFFF81, v41;
	v42 =	vadd.s32 $0xFFFFFF81, v42  }
0x3f: {  	v21 =	vor.u32 $0x3F800000, v21;
	v20 =	vor.u32 $0x3F800000, v20;
	v22 =	vor.u32 $0x3F800000, v22  }
0x40: {  	v1 =	vor.u32 $0x3F800000, v1;
	v0 =	vor.u32 $0x3F800000, v0;
	v45 =	vor.u32 $0x3F800000, v24  }
0x41: {  	v23 =	vor.u32 $0x3F800000, v23;
	v2 =	vor.u32 $0x3F800000, v2;
	v47 =	vor.u32 $0x3F800000, v25  }
0x42: {  	v3 =	vor.u32 $0x3F800000, v3;
	v46 =	vcvt.s32.f32 v29;
	v48 =	vcvt.s32.f32 v28  }
0x43: {  	v4 =	vor.u32 $0x3F800000, v4;
	v32 =	vcvt.s32.f32 v32;
	v30 =	vcvt.s32.f32 v30  }
0x44: {  	v49 =	vor.u32 $0x3F800000, v26;
	v31 =	vcvt.s32.f32 v31;
	v50 =	vcvt.s32.f32 v34  }
0x45: {  	v8 =	vor.u32 $0x3F800000, v8;
	v51 =	vcvt.s32.f32 v35;
	v52 =	vcvt.s32.f32 v33  }
0x46: {  	v53 =	vor.u32 $0x3F800000, v27;
	v54 =	vcvt.s32.f32 v38;
	v55 =	vcvt.s32.f32 v36  }
0x47: {  	v18 =	vor.u32 $0x3F800000, v18;
	v29 =	vcvt.s32.f32 v37;
	v27 =	vcvt.s32.f32 v40  }
0x48: {  	v19 =	vor.u32 $0x3F800000, v19;
	v28 =	vcvt.s32.f32 v41;
	v24 =	vcvt.s32.f32 v39  }
0x49: {  	v43 =	vadd.f32 $-1.000000000e+00, v21;
	v39 =	vadd.f32 $-1.000000000e+00, v20;
	v25 =	vcvt.s32.f32 v44  }
0x4a: {  	v44 =	vadd.f32 $-1.000000000e+00, v22;
	v40 =	vadd.f32 $-1.000000000e+00, v0;
	v26 =	vcvt.s32.f32 v42  }
0x4b: {  	v42 =	vadd.f32 $-1.000000000e+00, v23;
	v41 =	vadd.f32 $-1.000000000e+00, v1;
	v34 =	vmul.f32 $6.931471820e-01, v48  }
0x4c: {  	v38 =	vadd.f32 $-1.000000000e+00, v2;
	v22 =	vmul.f32 $6.931471820e-01, v46;
	v35 =	vmul.f32 $6.931471820e-01, v30  }
0x4d: {  	v47 =	vadd.f32 $-1.000000000e+00, v47;
	v23 =	vmul.f32 $6.931471820e-01, v32;
	v30 =	vmul.f32 $6.931471820e-01, v50  }
0x4e: {  	v49 =	vadd.f32 $-1.000000000e+00, v49;
	v33 =	vmul.f32 $6.931471820e-01, v31;
	v36 =	vmul.f32 $6.931471820e-01, v52  }
0x4f: {  	v46 =	vadd.f32 $-1.000000000e+00, v45;
	v31 =	vmul.f32 $6.931471820e-01, v51;
	v37 =	vmul.f32 $6.931471820e-01, v55  }
0x50: {  	v45 =	vadd.f32 $-1.000000000e+00, v3;
	v32 =	vmul.f32 $6.931471820e-01, v54;
	v0 =	vmul.f32 $1.024382840e-02, v43  }
0x51: {  	v48 =	vadd.f32 $-1.000000000e+00, v4;
	v1 =	vmul.f32 $1.024382840e-02, v39;
	v2 =	vmul.f32 $1.024382840e-02, v44  }
0x52: {  	v50 =	vadd.f32 $-1.000000000e+00, v8;
	v3 =	vmul.f32 $1.024382840e-02, v40;
	v4 =	vmul.f32 $1.024382840e-02, v42  }
0x53: {  	v8 =	vmul.f32 $1.024382840e-02, v41;
	v52 =	vadd.f32 $-1.000000000e+00, v18;
	v18 =	vmul.f32 $1.024382840e-02, v38  }
0x54: {  	v51 =	vadd.f32 $-1.000000000e+00, v53;
	v21 =	vmul.f32 $1.024382840e-02, v47;
	v62 =	vmul.f32 $1.024382840e-02, v49  }
0x55: {  	v53 =	vadd.f32 $-1.000000000e+00, v19;
	v20 =	vmul.f32 $1.024382840e-02, v46;
	v19 =	vmul.f32 $1.024382840e-02, v45  }
0x56: {  	v63 =	vmul.f32 $1.024382840e-02, v48;
	v1 =	vadd.f32 $-5.326747890e-02, v1;
	v0 =	vadd.f32 $-5.326747890e-02, v0  }
0x57: {  	v56 =	vmul.f32 $1.024382840e-02, v50;
	v3 =	vadd.f32 $-5.326747890e-02, v3;
	v2 =	vadd.f32 $-5.326747890e-02, v2  }
0x58: {  	v57 =	vmul.f32 $1.024382840e-02, v51;
	v8 =	vadd.f32 $-5.326747890e-02, v8;
	v4 =	vadd.f32 $-5.326747890e-02, v4  }
0x59: {  	v58 =	vmul.f32 $1.024382840e-02, v52;
	v18 =	vadd.f32 $-5.326747890e-02, v18;
	v21 =	vadd.f32 $-5.326747890e-02, v21  }
0x5a: {  	v59 =	vmul.f32 $1.024382840e-02, v53;
	v54 =	vadd.f32 $-5.326747890e-02, v62;
	v20 =	vadd.f32 $-5.326747890e-02, v20  }
0x5b: {  	v19 =	vadd.f32 $-5.326747890e-02, v19;
	v55 =	vadd.f32 $-5.326747890e-02, v63;
	v1 =	vmul.f32 v1, v39  }
0x5c: {  	v0 =	vmul.f32 v0, v43;
	v3 =	vmul.f32 v3, v40;
	v56 =	vadd.f32 $-5.326747890e-02, v56  }
0x5d: {  	v2 =	vmul.f32 v2, v44;
	v8 =	vmul.f32 v8, v41;
	v57 =	vadd.f32 $-5.326747890e-02, v57  }
0x5e: {  	v4 =	vmul.f32 v4, v42;
	v18 =	vmul.f32 v18, v38;
	v58 =	vadd.f32 $-5.326747890e-02, v58  }
0x5f: {  	v59 =	vadd.f32 $-5.326747890e-02, v59;
	v21 =	vmul.f32 v21, v47;
	v54 =	vmul.f32 v54, v49  }
0x60: {  	v20 =	vmul.f32 v20, v46;
	v19 =	vmul.f32 v19, v45;
	v0 =	vadd.f32 $1.319896580e-01, v0  }
0x61: {  	v55 =	vmul.f32 v55, v48;
	v1 =	vadd.f32 $1.319896580e-01, v1;
	v2 =	vadd.f32 $1.319896580e-01, v2  }
0x62: {  	v56 =	vmul.f32 v56, v50;
	v3 =	vadd.f32 $1.319896580e-01, v3;
	v4 =	vadd.f32 $1.319896580e-01, v4  }
0x63: {  	v57 =	vmul.f32 v57, v51;
	v8 =	vadd.f32 $1.319896580e-01, v8;
	v18 =	vadd.f32 $1.319896580e-01, v18  }
0x64: {  	v58 =	vmul.f32 v58, v52;
	v21 =	vadd.f32 $1.319896580e-01, v21;
	v54 =	vadd.f32 $1.319896580e-01, v54  }
0x65: {  	v59 =	vmul.f32 v59, v53;
	v20 =	vadd.f32 $1.319896580e-01, v20;
	v19 =	vadd.f32 $1.319896580e-01, v19  }
0x66: {  	v55 =	vadd.f32 $1.319896580e-01, v55;
	v1 =	vmul.f32 v1, v39;
	v0 =	vmul.f32 v0, v43  }
0x67: {  	v56 =	vadd.f32 $1.319896580e-01, v56;
	v3 =	vmul.f32 v3, v40;
	v2 =	vmul.f32 v2, v44  }
0x68: {  	v57 =	vadd.f32 $1.319896580e-01, v57;
	v8 =	vmul.f32 v8, v41;
	v4 =	vmul.f32 v4, v42  }
0x69: {  	v58 =	vadd.f32 $1.319896580e-01, v58;
	v18 =	vmul.f32 v18, v38;
	v21 =	vmul.f32 v21, v47  }
0x6a: {  	v59 =	vadd.f32 $1.319896580e-01, v59;
	v54 =	vmul.f32 v54, v49;
	v20 =	vmul.f32 v20, v46  }
0x6b: {  	v19 =	vmul.f32 v19, v45;
	v55 =	vmul.f32 v55, v48;
	v1 =	vadd.f32 $-2.239668970e-01, v1  }
0x6c: {  	v0 =	vadd.f32 $-2.239668970e-01, v0;
	v3 =	vadd.f32 $-2.239668970e-01, v3;
	v56 =	vmul.f32 v56, v50  }
0x6d: {  	v2 =	vadd.f32 $-2.239668970e-01, v2;
	v8 =	vadd.f32 $-2.239668970e-01, v8;
	v57 =	vmul.f32 v57, v51  }
0x6e: {  	v4 =	vadd.f32 $-2.239668970e-01, v4;
	v18 =	vadd.f32 $-2.239668970e-01, v18;
	v58 =	vmul.f32 v58, v52  }
0x6f: {  	v59 =	vmul.f32 v59, v53;
	v21 =	vadd.f32 $-2.239668970e-01, v21;
	v54 =	vadd.f32 $-2.239668970e-01, v54  }
0x70: {  	v20 =	vadd.f32 $-2.239668970e-01, v20;
	v19 =	vadd.f32 $-2.239668970e-01, v19;
	v0 =	vmul.f32 v0, v43  }
0x71: {  	v55 =	vadd.f32 $-2.239668970e-01, v55;
	v1 =	vmul.f32 v1, v39;
	v2 =	vmul.f32 v2, v44  }
0x72: {  	v56 =	vadd.f32 $-2.239668970e-01, v56;
	v3 =	vmul.f32 v3, v40;
	v60 =	vmul.f32 v4, v42  }
0x73: {  	v57 =	vadd.f32 $-2.239668970e-01, v57;
	v8 =	vmul.f32 v8, v41;
	v18 =	vmul.f32 v18, v38  }
0x74: {  	v58 =	vadd.f32 $-2.239668970e-01, v58;
	v5 =	vmul.f32 v21, v47;
	v6 =	vmul.f32 v54, v49  }
0x75: {  	v59 =	vadd.f32 $-2.239668970e-01, v59;
	v61 =	vmul.f32 v20, v46;
	v19 =	vmul.f32 v19, v45  }
0x76: {  	v54 =	vmul.f32 v55, v48;
	v55 =	vadd.f32 $3.275117280e-01, v1;
	v0 =	vadd.f32 $3.275117280e-01, v0  }
0x77: {  	v56 =	vmul.f32 v56, v50;
	v4 =	vadd.f32 $3.275117280e-01, v3;
	v21 =	vadd.f32 $3.275117280e-01, v2  }
0x78: {  	v57 =	vmul.f32 v57, v51;
	v20 =	vadd.f32 $3.275117280e-01, v8;
	v62 =	vadd.f32 $3.275117280e-01, v60  }
0x79: {  	v58 =	vmul.f32 v58, v52;
	v1 =	vadd.f32 $3.275117280e-01, v18;
	v59 =	vmul.f32 v59, v53  }
0x7a: {  	[tilespmem:$0x1FF30] =	vst v10;
	v60 =	vadd.f32 $3.275117280e-01, v5;
	v8 =	vadd.f32 $3.275117280e-01, v6;
	v5 =	vimm.f32 $0.0e+00  }
0x7b: {  	[tilespmem:$0x1FF40] =	vst v11;
	v63 =	vadd.f32 $3.275117280e-01, v61;
	v61 =	vadd.f32 $3.275117280e-01, v54;
	v54 =	vmul.f32 v55, v39  }
0x7c: {  	[tilespmem:$0x1FF50] =	vst v13;
	v2 =	vadd.f32 $3.275117280e-01, v19;
	v3 =	vmul.f32 v0, v43;
	v55 =	vmul.f32 v4, v40  }
0x7d: {  	[tilespmem:$0x1FF60] =	vst v12;
	v0 =	vadd.f32 $3.275117280e-01, v56;
	v4 =	vmul.f32 v21, v44;
	v56 =	vmul.f32 v20, v41  }
0x7e: {  	s13 =	simm.s32 $0x8;
	[tilespmem:$0x1FF70] =	vst v5;
	v21 =	vimm.f32 $0.0e+00;
	v20 =	vimm.f32 $0.0e+00;
	v19 =	vimm.f32 $0.0e+00  }
.LBB2_2:
0x7f: {  	v29 =	vmul.f32 $6.931471820e-01, v29;
	v57 =	vadd.f32 $3.275117280e-01, v57  }
0x80: {  	v62 =	vmul.f32 v62, v42;
	v1 =	vmul.f32 v1, v38;
	v58 =	vadd.f32 $3.275117280e-01, v58  }
0x81: {  	v63 =	vmul.f32 v63, v46;
	v2 =	vmul.f32 v2, v45;
	v59 =	vadd.f32 $3.275117280e-01, v59  }
0x82: {  	v60 =	vmul.f32 v60, v47;
	v61 =	vmul.f32 v61, v48;
	v3 =	vadd.f32 $-4.993339480e-01, v3  }
0x83: {  	v8 =	vmul.f32 v8, v49;
	v54 =	vadd.f32 $-4.993339480e-01, v54;
	v4 =	vadd.f32 $-4.993339480e-01, v4  }
0x84: {  	v0 =	vmul.f32 v0, v50;
	v55 =	vadd.f32 $-4.993339480e-01, v55;
	v56 =	vadd.f32 $-4.993339480e-01, v56  }
0x85: {  	v57 =	vmul.f32 v57, v51;
	v62 =	vadd.f32 $-4.993339480e-01, v62;
	v58 =	vmul.f32 v58, v52  }
0x86: {  	v63 =	vadd.f32 $-4.993339480e-01, v63;
	v1 =	vadd.f32 $-4.993339480e-01, v1;
	v59 =	vmul.f32 v59, v53  }
0x87: {  	v60 =	vadd.f32 $-4.993339480e-01, v60;
	v2 =	vadd.f32 $-4.993339480e-01, v2;
	v54 =	vmul.f32 v54, v39  }
0x88: {  	v8 =	vadd.f32 $-4.993339480e-01, v8;
	v3 =	vmul.f32 v3, v43;
	v55 =	vmul.f32 v55, v40  }
0x89: {  	v61 =	vadd.f32 $-4.993339480e-01, v61;
	v4 =	vmul.f32 v4, v44;
	v56 =	vmul.f32 v56, v41  }
0x8a: {  	v57 =	vadd.f32 $-4.993339480e-01, v57;
	v58 =	vadd.f32 $-4.993339480e-01, v58;
	v62 =	vmul.f32 v62, v42  }
0x8b: {  	v1 =	vmul.f32 v1, v38;
	v63 =	vmul.f32 v63, v46;
	v3 =	vadd.f32 $9.999702570e-01, v3  }
0x8c: {  	v54 =	vadd.f32 $9.999702570e-01, v54;
	v4 =	vadd.f32 $9.999702570e-01, v4;
	v57 =	vmul.f32 v57, v51  }
0x8d: {  	v58 =	vmul.f32 v58, v52;
	v63 =	vadd.f32 $9.999702570e-01, v63;
	v3 =	vmul.f32 v3, v43  }
0x8e: {  	v5 =	vld [tilespmem:$0x1FFC0];
	v0 =	vadd.f32 $-4.993339480e-01, v0;
	v39 =	vmul.f32 v54, v39;
	v4 =	vmul.f32 v4, v44  }
0x8f: {  	v54 =	vadd.f32 $9.999702570e-01, v57;
	v57 =	vadd.f32 $9.999702570e-01, v58;
	v58 =	vmul.f32 v63, v46  }
0x90: {  	v59 =	vadd.f32 $-4.993339480e-01, v59;
	v2 =	vmul.f32 v2, v45;
	v3 =	vadd.f32 $2.215976450e-07, v3  }
0x91: {  	v4 =	vadd.f32 $2.215976450e-07, v4;
	v43 =	vmul.f32 v54, v51;
	v46 =	vadd.f32 $2.215976450e-07, v58  }
0x92: {  	v54 =	vmul.f32 $6.931471820e-01, v27;
	v27 =	vadd.f32 v3, v34;
	v3 =	vmul.f32 $6.931471820e-01, v24  }
0x93: {  	v24 =	vadd.f32 v4, v35;
	v35 =	vadd.f32 v46, v36;
	v46 =	vor.u32 s13, v5;
	v5 =	vld [tilespmem:$0x1FF80]  }
0x94: {  	v60 =	vmul.f32 v60, v47;
	v8 =	vmul.f32 v8, v49;
	v55 =	vadd.f32 $9.999702570e-01, v55  }
0x95: {  	v61 =	vmul.f32 v61, v48;
	v56 =	vadd.f32 $9.999702570e-01, v56;
	v62 =	vadd.f32 $9.999702570e-01, v62  }
0x96: {  	v0 =	vmul.f32 v0, v50;
	v1 =	vadd.f32 $9.999702570e-01, v1;
	v8 =	vadd.f32 $9.999702570e-01, v8  }
0x97: {  	v2 =	vadd.f32 $9.999702570e-01, v2;
	v59 =	vmul.f32 v59, v53;
	v60 =	vadd.f32 $9.999702570e-01, v60  }
0x98: {  	v61 =	vadd.f32 $9.999702570e-01, v61;
	v8 =	vmul.f32 v8, v49;
	v49 =	vor.u32 s13, v5;
	v5 =	vld [tilespmem:$0x1FF90]  }
0x99: {  	v0 =	vadd.f32 $9.999702570e-01, v0;
	v40 =	vmul.f32 v55, v40;
	v56 =	vmul.f32 v56, v41  }
0x9a: {  	v55 =	vmul.f32 v62, v42;
	v1 =	vmul.f32 v1, v38;
	v62 =	vadd.f32 $9.999702570e-01, v59  }
0x9b: {  	v63 =	vmul.f32 v60, v47;
	v2 =	vmul.f32 v2, v45;
	v39 =	vadd.f32 $2.215976450e-07, v39  }
0x9c: {  	v48 =	vmul.f32 v61, v48;
	v40 =	vadd.f32 $2.215976450e-07, v40;
	v41 =	vadd.f32 $2.215976450e-07, v56  }
0x9d: {  	v42 =	vadd.f32 $2.215976450e-07, v55;
	v1 =	vadd.f32 $2.215976450e-07, v1;
	v60 =	vor.u32 s13, v5;
	v5 =	vld [tilespmem:$0x1FFA0]  }
0x9e: {  	v0 =	vmul.f32 v0, v50;
	v47 =	vadd.f32 $2.215976450e-07, v63;
	v2 =	vadd.f32 $2.215976450e-07, v2  }
0x9f: {  	v28 =	vmul.f32 $6.931471820e-01, v28;
	v8 =	vadd.f32 $2.215976450e-07, v8;
	v45 =	vadd.f32 $2.215976450e-07, v48  }
0xa0: {  	v38 =	vmul.f32 v62, v53;
	v0 =	vadd.f32 $2.215976450e-07, v0;
	v22 =	vadd.f32 v39, v22  }
0xa1: {  	v44 =	vmul.f32 v57, v52;
	v4 =	vadd.f32 v40, v23;
	v33 =	vadd.f32 v41, v33  }
0xa2: {  	v43 =	vadd.f32 $2.215976450e-07, v43;
	v38 =	vadd.f32 $2.215976450e-07, v38;
	v61 =	vor.u32 s13, v5;
	v5 =	vld [tilespmem:$0x1FFB0]  }
0xa3: {  	v23 =	vmul.f32 $6.931471820e-01, v25;
	v44 =	vadd.f32 $2.215976450e-07, v44;
	v34 =	vadd.f32 v47, v37  }
0xa4: {  	v25 =	vmul.f32 $6.931471820e-01, v26;
	v8 =	vadd.f32 v8, v54;
	v1 =	vadd.f32 v1, v31  }
0xa5: {  	v2 =	vadd.f32 v2, v32;
	v31 =	vmul.f32 v24, v9;
	v55 =	vmul.f32 v4, v9  }
0xa6: {  	v29 =	vadd.f32 v45, v29;
	v39 =	vmul.f32 v33, v9;
	v3 =	vadd.f32 v43, v3  }
0xa7: {  	v26 =	vmul.f32 v34, v15;
	v14 =	vmul.f32 v35, v14;
	v62 =	vor.u32 s13, v5;
	v5 =	vld [tilespmem:$0x1FFF0]  }
0xa8: {  	v0 =	vadd.f32 v0, v28;
	v36 =	vmul.f32 v3, v17;
	v17 =	vmul.f32 v27, v9  }
0xa9: {  	v16 =	vmul.f32 v8, v16;
	v15 =	vadd.f32 v42, v30;
	v28 =	vmul.f32 v35, v9  }
0xaa: {  	v41 =	vadd.f32 v44, v23;
	v42 =	vmul.f32 v34, v9;
	v17 =	vmul.f32 $1.442695020e+00, v17  }
0xab: {  	v43 =	vmul.f32 v2, v9;
	v38 =	vadd.f32 v38, v25;
	v23 =	vmul.f32 v8, v9  }
0xac: {  	v56 =	vmul.f32 v29, v9;
	(erf) = vpow2.f32 v17;
	v17 =	vor.u32 s13, v5;
	v5 =	vld [tilespmem:$0x1FFE0]  }
0xad: {  	v57 =	vmul.f32 v0, v9;
	v58 =	vmul.f32 v38, v9  }
0xae: {  	v31 =	vmul.f32 $1.442695020e+00, v31;
	v25 =	vmul.f32 v3, v9  }
0xaf: {  	v59 =	vmul.f32 v41, v9;
	v47 =	vmul.f32 $1.442695020e+00, v58  }
0xb0: {  	v63 =	vmul.f32 $1.442695020e+00, v25;
	(erf) = vpow2.f32 v31  }
0xb1: {  	v31 =	vmul.f32 $1.442695020e+00, v59;
	(erf) = vpow2.f32 v47;
	v25 =	vor.u32 s13, v5;
	v5 =	vld [tilespmem:$0x1FFD0]  }
0xb2: {  	v48 =	vmul.f32 $1.442695020e+00, v23;
	(erf) = vpow2.f32 v63  }
0xb3: {  	v45 =	vmul.f32 $1.442695020e+00, v57;
	(erf) = vpow2.f32 v31  }
0xb4: {  	v31 =	vmul.f32 $1.442695020e+00, v42;
	(erf) = vpow2.f32 v48  }
0xb5: {  	v53 =	vmul.f32 $1.442695020e+00, v56;
	(erf) = vpow2.f32 v45  }
0xb6: {  	(erf) = vpow2.f32 v31;
	v23 =	vor.u32 s13, v5;
	v5 =	vmul.f32 $1.442695020e+00, v28  }
0xb7: {  	v37 =	vmul.f32 v15, v9;
	(erf) = vpow2.f32 v53  }
0xb8: {  	v6 =	vmul.f32 $1.442695020e+00, v43;
	v28 =	vpop (erf);
	(erf) = vpow2.f32 v5;
	v5 =	vld [tilespmem:$0x1FF70]  }
0xb9: {  	v30 =	vmul.f32 v22, v9;
	v3 =	vsub.f32 v38, v3;
	v7 =	vmul.f32 $1.442695020e+00, v37;
	v31 =	vpop (erf)  }
0xba: {  	v4 =	vsub.f32 v4, v22;
	v40 =	vmul.f32 v1, v9;
	v56 =	vpop (erf);
	(erf) = vpow2.f32 v6  }
0xbb: {  	v8 =	vsub.f32 v41, v8;
	v3 =	vmul.f32 v56, v3;
	v57 =	vpop (erf);
	(erf) = vpow2.f32 v7  }
0xbc: {  	v0 =	vsub.f32 v0, v34;
	v54 =	vmul.f32 $1.442695020e+00, v40;
	v6 =	vadd.f32 v57, v20;
	v58 =	vpop (erf)  }
0xbd: {  	v3 =	vadd.f32 v3, v19;
	v8 =	vmul.f32 v58, v8;
	v19 =	vpop (erf);
	v18 =	vadd.f32 v36, v5  }
0xbe: {  	v32 =	vmul.f32 $1.442695020e+00, v55;
	v21 =	vadd.f32 v56, v21;
	v20 =	vpop (erf);
	v5 =	vadd.f32 v19, v6  }
0xbf: {  	(erf) = vpow2.f32 v54;
	v3 =	vadd.f32 v8, v3;
	v8 =	vadd.f32 v16, v18;
	v16 =	vpop (erf)  }
0xc0: {  	v55 =	vmul.f32 $1.442695020e+00, v39;
	v7 =	vadd.f32 v58, v21;
	v16 =	vadd.f32 v16, v5;
	v5 =	vld [tilespmem:$0x1FF60]  }
0xc1: {  	v29 =	vsub.f32 v29, v35;
	v30 =	vmul.f32 $1.442695020e+00, v30;
	v0 =	vmul.f32 v20, v0;
	v19 =	vpop (erf)  }
0xc2: {  	v2 =	vsub.f32 v2, v15;
	(erf) = vpow2.f32 v55;
	v6 =	vadd.f32 v20, v7;
	v21 =	vpop (erf)  }
0xc3: {  	(erf) = vpow2.f32 v32;
	v0 =	vadd.f32 v0, v3;
	v10 =	vadd.f32 v21, v16;
	v20 =	vpop (erf)  }
0xc4: {  	(erf) = vpow2.f32 v30;
	v3 =	vadd.f32 v26, v8;
	v7 =	vmul.f32 v19, v29;
	v26 =	vld.idx.msk [tilespmem:v60+s10+$0x0], $0xffff;
	v8 =	vpop (erf)  }
0xc5: {  	v19 =	vadd.f32 v19, v6;
	v8 =	vadd.f32 v8, v10;
	v15 =	vmul.f32 v15, v5;
	v5 =	vld [tilespmem:$0x1FF50]  }
0xc6: {  	v0 =	vadd.f32 v7, v0;
	v7 =	vadd.f32 v14, v3;
	v14 =	vld.idx.msk [tilespmem:v62+s10+$0x0], $0xffff  }
0xc7: {  	v1 =	vsub.f32 v1, v24;
	v2 =	vmul.f32 v20, v2;
	v8 =	vadd.f32 v31, v8  }
0xc8: {  	v33 =	vsub.f32 v33, v27;
	v29 =	vld.idx.msk [tilespmem:v49+s2+$0x0], $0xffff;
	v19 =	vadd.f32 v20, v19;
	v16 =	vpop (erf)  }
0xc9: {  	v0 =	vadd.f32 v2, v0;
	v1 =	vmul.f32 v16, v1;
	v8 =	vadd.f32 v28, v8;
	v28 =	vld.idx.msk [tilespmem:v62+s2+$0x0], $0xffff  }
0xca: {  	v16 =	vadd.f32 v16, v19;
	v2 =	vadd.f32 v15, v7;
	v10 =	vmul.f32 v24, v5;
	v24 =	vld.idx.msk [tilespmem:v60+s2+$0x0], $0xffff  }
0xcb: {  	v3 =	vpop (erf);
	v0 =	vadd.f32 v1, v0;
	v7 =	vmov v26;
	v26 =	vadd.f32 $9.999999930e-09, v14;
	v5 =	vld [tilespmem:$0x1FF40]  }
0xcc: {  	v15 =	vld.idx.msk [tilespmem:v17+s10+$0x0], $0xffff;
	v1 =	vadd.f32 v10, v2;
	v2 =	vmul.f32 v3, v33;
	v3 =	vadd.f32 v3, v16  }
0xcd: {  	v18 =	vld.idx.msk [tilespmem:v49+s10+$0x0], $0xffff;
	v13 =	vpop (erf);
	v49 =	vshra.s32 v26, $0x17;
	v26 =	vand.u32 $0x7FFFFF, v26  }
0xce: {  	v0 =	vadd.f32 v2, v0;
	v2 =	vmul.f32 v13, v4;
	v4 =	vpop (erf);
	v21 =	vadd.f32 v13, v3;
	v3 =	vld.idx.msk [tilespmem:v17+s2+$0x0], $0xffff  }
0xcf: {  	v37 =	vadd.s32 $0xFFFFFF81, v49;
	v28 =	vadd.f32 $9.999999930e-09, v28;
	v17 =	vld.idx.msk [tilespmem:v23+s10+$0x0], $0xffff;
	v20 =	vadd.f32 v4, v8  }
0xd0: {  	v11 =	vmul.f32 v27, v5;
	v8 =	vld.idx.msk [tilespmem:v23+s2+$0x0], $0xffff;
	v23 =	vadd.f32 $9.999999930e-09, v29;
	v24 =	vadd.f32 $9.999999930e-09, v24  }
0xd1: {  	v29 =	vadd.f32 $9.999999930e-09, v15;
	v53 =	vshra.s32 v28, $0x17;
	v28 =	vand.u32 $0x7FFFFF, v28  }
0xd2: {  	v27 =	vld.idx.msk [tilespmem:v61+s2+$0x0], $0xffff;
	v19 =	vadd.f32 v2, v0;
	v41 =	vadd.s32 $0xFFFFFF81, v53;
	v53 =	vor.u32 $0x3F800000, v28  }
0xd3: {  	v5 =	vld [tilespmem:$0x1FF30];
	v1 =	vadd.f32 v11, v1;
	v63 =	vshra.s32 v23, $0x17;
	v51 =	vshra.s32 v24, $0x17  }
0xd4: {  	v52 =	vshra.s32 v29, $0x17;
	v24 =	vand.u32 $0x7FFFFF, v24;
	v23 =	vand.u32 $0x7FFFFF, v23  }
0xd5: {  	v29 =	vand.u32 $0x7FFFFF, v29;
	v35 =	vadd.s32 $0xFFFFFF81, v63;
	v39 =	vadd.s32 $0xFFFFFF81, v51  }
0xd6: {  	v40 =	vadd.s32 $0xFFFFFF81, v52;
	v23 =	vor.u32 $0x3F800000, v23;
	v51 =	vor.u32 $0x3F800000, v29  }
0xd7: {  	v6 =	vld.idx.msk [tilespmem:v61+s10+$0x0], $0xffff;
	v29 =	vcvt.s32.f32 v41;
	v3 =	vadd.f32 $9.999999930e-09, v3;
	v31 =	vadd.f32 $9.999999930e-09, v17  }
0xd8: {  	v41 =	vadd.f32 $-1.000000000e+00, v23;
	v22 =	vmul.f32 v22, v5;
	v5 =	vmovc v18;
	v27 =	vadd.f32 $9.999999930e-09, v27  }
0xd9: {  	v59 =	vld.idx.msk [tilespmem:v46+s10+$0x0], $0xffff;
	v63 =	vcvt.s32.f32 v40;
	v8 =	vadd.f32 $9.999999930e-09, v8;
	v2 =	vadd.f32 $9.999999930e-09, v5  }
0xda: {  	v30 =	vld.idx.msk [tilespmem:v46+s2+$0x0], $0xffff;
	v55 =	vshra.s32 v31, $0x17;
	v57 =	vshra.s32 v3, $0x17;
	v3 =	vand.u32 $0x7FFFFF, v3  }
0xdb: {  	v16 =	vld.idx.msk [tilespmem:v25+s10+$0x0], $0xffff;
	v31 =	vand.u32 $0x7FFFFF, v31;
	v0 =	vadd.f32 v22, v1;
	v22 =	vadd.f32 $9.999999930e-09, v7  }
0xdc: {  	v1 =	vld.idx.msk [tilespmem:v25+s2+$0x0], $0xffff;
	v25 =	vadd.f32 $9.999999930e-09, v6;
	v54 =	vshra.s32 v27, $0x17;
	v58 =	vshra.s32 v8, $0x17  }
0xdd: {  	v27 =	vand.u32 $0x7FFFFF, v27;
	v8 =	vand.u32 $0x7FFFFF, v8;
	v43 =	vadd.s32 $0xFFFFFF81, v55  }
0xde: {  	v45 =	vadd.s32 $0xFFFFFF81, v57;
	v55 =	vcvt.s32.f32 v35;
	v3 =	vor.u32 $0x3F800000, v3  }
0xdf: {  	v4 =	vmovc v59;
	v60 =	vshra.s32 v2, $0x17;
	v2 =	vand.u32 $0x7FFFFF, v2;
	v42 =	vadd.s32 $0xFFFFFF81, v54  }
0xe0: {  	[tilespmem:$0x1FF30] =	vst v4;
	v46 =	vadd.s32 $0xFFFFFF81, v58;
	v52 =	vor.u32 $0x3F800000, v27;
	v8 =	vor.u32 $0x3F800000, v8  }
0xe1: {  	v28 =	vcvt.s32.f32 v45;
	[tilespmem:$0x1FF70] =	vst v0;
	v0 =	vadd.f32 $9.999999930e-09, v4;
	v4 =	vadd.f32 $9.999999930e-09, v30  }
0xe2: {  	v30 =	vadd.f32 $9.999999930e-09, v16;
	v62 =	vshra.s32 v22, $0x17;
	v50 =	vshra.s32 v25, $0x17  }
0xe3: {  	v22 =	vand.u32 $0x7FFFFF, v22;
	v25 =	vand.u32 $0x7FFFFF, v25;
	v32 =	vadd.s32 $0xFFFFFF81, v60  }
0xe4: {  	v2 =	vor.u32 $0x3F800000, v2;
	v60 =	vcvt.s32.f32 v39;
	v45 =	vadd.f32 $-1.000000000e+00, v52  }
0xe5: {  	v38 =	vadd.s32 $0xFFFFFF81, v50;
	v34 =	vadd.s32 $0xFFFFFF81, v62;
	v22 =	vor.u32 $0x3F800000, v22  }
0xe6: {  	v49 =	vor.u32 $0x3F800000, v25;
	v50 =	vor.u32 $0x3F800000, v24;
	v32 =	vcvt.s32.f32 v32  }
0xe7: {  	v62 =	vcvt.s32.f32 v42;
	v24 =	vcvt.s32.f32 v43;
	v43 =	vadd.f32 $-1.000000000e+00, v2  }
0xe8: {  	v61 =	vshra.s32 v0, $0x17;
	v48 =	vshra.s32 v4, $0x17;
	v56 =	vshra.s32 v30, $0x17  }
0xe9: {  	v0 =	vand.u32 $0x7FFFFF, v0;
	v4 =	vand.u32 $0x7FFFFF, v4;
	v30 =	vand.u32 $0x7FFFFF, v30  }
0xea: {  	v42 =	vadd.f32 $-1.000000000e+00, v49;
	v57 =	vmul.f32 $1.024382840e-02, v45;
	v1 =	vadd.f32 $9.999999930e-09, v1  }
0xeb: {  	v36 =	vadd.s32 $0xFFFFFF81, v48;
	v33 =	vadd.s32 $0xFFFFFF81, v61;
	v44 =	vadd.s32 $0xFFFFFF81, v56  }
0xec: {  	v0 =	vor.u32 $0x3F800000, v0;
	v4 =	vor.u32 $0x3F800000, v4;
	v48 =	vor.u32 $0x3F800000, v26  }
0xed: {  	v54 =	vor.u32 $0x3F800000, v30;
	v30 =	vcvt.s32.f32 v34;
	v56 =	vcvt.s32.f32 v38  }
0xee: {  	v61 =	vor.u32 $0x3F800000, v31;
	v31 =	vcvt.s32.f32 v37;
	v26 =	vcvt.s32.f32 v46  }
0xef: {  	v38 =	vadd.f32 $-1.000000000e+00, v50;
	v34 =	vmul.f32 $6.931471820e-01, v32;
	v37 =	vmul.f32 $6.931471820e-01, v63  }
0xf0: {  	v32 =	vmul.f32 $6.931471820e-01, v62;
	v50 =	vadd.f32 $-1.000000000e+00, v3;
	v33 =	vcvt.s32.f32 v33  }
0xf1: {  	v27 =	vcvt.s32.f32 v44;
	v39 =	vadd.f32 $-1.000000000e+00, v0;
	v44 =	vadd.f32 $-1.000000000e+00, v22  }
0xf2: {  	v36 =	vcvt.s32.f32 v36;
	v40 =	vadd.f32 $-1.000000000e+00, v4;
	v46 =	vadd.f32 $-1.000000000e+00, v48  }
0xf3: {  	v49 =	vadd.f32 $-1.000000000e+00, v54;
	v0 =	vmul.f32 $1.024382840e-02, v43;
	v54 =	vmul.f32 $1.024382840e-02, v42  }
0xf4: {  	v48 =	vadd.f32 $-1.000000000e+00, v53;
	v35 =	vmul.f32 $6.931471820e-01, v30;
	v30 =	vmul.f32 $6.931471820e-01, v56  }
0xf5: {  	v53 =	vadd.f32 $-1.000000000e+00, v8;
	v56 =	vmul.f32 $1.024382840e-02, v38;
	v22 =	vmul.f32 $6.931471820e-01, v33  }
0xf6: {  	v57 =	vadd.f32 $-5.326747890e-02, v57;
	v23 =	vmul.f32 $6.931471820e-01, v36;
	v33 =	vmul.f32 $6.931471820e-01, v55  }
0xf7: {  	v59 =	vshra.s32 v1, $0x17;
	v36 =	vmul.f32 $6.931471820e-01, v31;
	v31 =	vmul.f32 $6.931471820e-01, v60  }
0xf8: {  	v1 =	vand.u32 $0x7FFFFF, v1;
	v2 =	vmul.f32 $1.024382840e-02, v39;
	v3 =	vmul.f32 $1.024382840e-02, v44  }
0xf9: {  	v47 =	vadd.s32 $0xFFFFFF81, v59;
	v4 =	vmul.f32 $1.024382840e-02, v40;
	v55 =	vmul.f32 $1.024382840e-02, v41  }
0xfa: {  	v1 =	vor.u32 $0x3F800000, v1;
	v58 =	vmul.f32 $1.024382840e-02, v49;
	v59 =	vmul.f32 $1.024382840e-02, v48  }
0xfb: {  	v60 =	vmul.f32 $1.024382840e-02, v50;
	v0 =	vadd.f32 $-5.326747890e-02, v0;
	v54 =	vadd.f32 $-5.326747890e-02, v54  }
0xfc: {  	v25 =	vcvt.s32.f32 v47;
	v47 =	vadd.f32 $-1.000000000e+00, v51;
	v51 =	vadd.f32 $-1.000000000e+00, v61  }
0xfd: {  	v63 =	vmul.f32 $1.024382840e-02, v53;
	v52 =	vadd.f32 $-1.000000000e+00, v1;
	v56 =	vadd.f32 $-5.326747890e-02, v56  }
0xfe: {  	v57 =	vmul.f32 v57, v45;
	v2 =	vadd.f32 $-5.326747890e-02, v2;
	v4 =	vadd.f32 $-5.326747890e-02, v4  }
0xff: {  	v1 =	vmul.f32 $1.024382840e-02, v46;
	v3 =	vadd.f32 $-5.326747890e-02, v3;
	v55 =	vadd.f32 $-5.326747890e-02, v55  }
0x100: {  	v59 =	vadd.f32 $-5.326747890e-02, v59;
	v58 =	vadd.f32 $-5.326747890e-02, v58;
	v0 =	vmul.f32 v0, v43  }
0x101: {  	v60 =	vadd.f32 $-5.326747890e-02, v60;
	v54 =	vmul.f32 v54, v42;
	v8 =	vmul.f32 $1.024382840e-02, v47  }
0x102: {  	v63 =	vadd.f32 $-5.326747890e-02, v63;
	v61 =	vmul.f32 $1.024382840e-02, v51;
	v62 =	vmul.f32 $1.024382840e-02, v52  }
0x103: {  	v57 =	vadd.f32 $1.319896580e-01, v57;
	v56 =	vmul.f32 v56, v38;
	v2 =	vmul.f32 v2, v39  }
0x104: {  	v1 =	vadd.f32 $-5.326747890e-02, v1;
	v4 =	vmul.f32 v4, v40;
	v3 =	vmul.f32 v3, v44  }
0x105: {  	v55 =	vmul.f32 v55, v41;
	v59 =	vmul.f32 v59, v48;
	v0 =	vadd.f32 $1.319896580e-01, v0  }
0x106: {  	v58 =	vmul.f32 v58, v49;
	v54 =	vadd.f32 $1.319896580e-01, v54;
	v8 =	vadd.f32 $-5.326747890e-02, v8  }
0x107: {  	v60 =	vmul.f32 v60, v50;
	v61 =	vadd.f32 $-5.326747890e-02, v61;
	v62 =	vadd.f32 $-5.326747890e-02, v62  }
0x108: {  	v63 =	vmul.f32 v63, v53;
	v56 =	vadd.f32 $1.319896580e-01, v56;
	v2 =	vadd.f32 $1.319896580e-01, v2  }
0x109: {  	v57 =	vmul.f32 v57, v45;
	v3 =	vadd.f32 $1.319896580e-01, v3;
	v4 =	vadd.f32 $1.319896580e-01, v4  }
0x10a: {  	v1 =	vmul.f32 v1, v46;
	v55 =	vadd.f32 $1.319896580e-01, v55;
	v58 =	vadd.f32 $1.319896580e-01, v58  }
0x10b: {  	v59 =	vadd.f32 $1.319896580e-01, v59;
	v0 =	vmul.f32 v0, v43;
	v54 =	vmul.f32 v54, v42  }
0x10c: {  	v60 =	vadd.f32 $1.319896580e-01, v60;
	v8 =	vmul.f32 v8, v47;
	v61 =	vmul.f32 v61, v51  }
0x10d: {  	v63 =	vadd.f32 $1.319896580e-01, v63;
	v62 =	vmul.f32 v62, v52;
	v56 =	vmul.f32 v56, v38  }
0x10e: {  	v57 =	vadd.f32 $-2.239668970e-01, v57;
	v2 =	vmul.f32 v2, v39;
	v4 =	vmul.f32 v4, v40  }
0x10f: {  	v1 =	vadd.f32 $1.319896580e-01, v1;
	v3 =	vmul.f32 v3, v44;
	v55 =	vmul.f32 v55, v41  }
0x110: {  	v59 =	vmul.f32 v59, v48;
	v58 =	vmul.f32 v58, v49;
	v0 =	vadd.f32 $-2.239668970e-01, v0  }
0x111: {  	v60 =	vmul.f32 v60, v50;
	v54 =	vadd.f32 $-2.239668970e-01, v54;
	v8 =	vadd.f32 $1.319896580e-01, v8  }
0x112: {  	v63 =	vmul.f32 v63, v53;
	v61 =	vadd.f32 $1.319896580e-01, v61;
	v62 =	vadd.f32 $1.319896580e-01, v62  }
0x113: {  	[tilespmem:$0x1FF60] =	vst v6;
	v6 =	vmul.f32 v57, v45;
	v56 =	vadd.f32 $-2.239668970e-01, v56;
	v2 =	vadd.f32 $-2.239668970e-01, v2  }
0x114: {  	v1 =	vmul.f32 v1, v46;
	v4 =	vadd.f32 $-2.239668970e-01, v4;
	v3 =	vadd.f32 $-2.239668970e-01, v3  }
0x115: {  	v55 =	vadd.f32 $-2.239668970e-01, v55;
	v0 =	vmul.f32 v0, v43;
	v54 =	vmul.f32 v54, v42  }
0x116: {  	v59 =	vadd.f32 $-2.239668970e-01, v59;
	v8 =	vmul.f32 v8, v47;
	v61 =	vmul.f32 v61, v51  }
0x117: {  	v58 =	vadd.f32 $-2.239668970e-01, v58;
	v62 =	vmul.f32 v62, v52;
	v2 =	vmul.f32 v2, v39  }
0x118: {  	v60 =	vadd.f32 $-2.239668970e-01, v60;
	v3 =	vmul.f32 v3, v44;
	v4 =	vmul.f32 v4, v40  }
0x119: {  	[tilespmem:$0x1FF50] =	vst v7;
	v1 =	vadd.f32 $-2.239668970e-01, v1;
	v55 =	vmul.f32 v55, v41;
	v7 =	vmul.f32 v58, v49  }
0x11a: {  	v10 =	vmul.f32 v59, v48;
	v0 =	vadd.f32 $3.275117280e-01, v0;
	v8 =	vadd.f32 $-2.239668970e-01, v8  }
0x11b: {  	[tilespmem:$0x1FF40] =	vst v5;
	v61 =	vadd.f32 $-2.239668970e-01, v61;
	v62 =	vadd.f32 $-2.239668970e-01, v62;
	v5 =	vmul.f32 v1, v46  }
0x11c: {  	v1 =	vmul.f32 v56, v38;
	v56 =	vadd.f32 $-2.239668970e-01, v63;
	v11 =	vadd.f32 $3.275117280e-01, v2  }
0x11d: {  	v12 =	vmul.f32 v60, v50;
	v4 =	vadd.f32 $3.275117280e-01, v4;
	v13 =	vadd.f32 $3.275117280e-01, v3  }
0x11e: {  	p0 =	sne.s32 s13, $0x38;
	v18 =	vadd.f32 $3.275117280e-01, v55;
	v2 =	vadd.f32 $3.275117280e-01, v6;
	v3 =	vmul.f32 v0, v43  }
.Ltmp0:
0x11f: {  	v0 =	vadd.f32 $3.275117280e-01, v12;
	v8 =	vmul.f32 v8, v47;
	v57 =	vmul.f32 v61, v51;
	(pc) =	sbr.rel @p0 .LBB2_2-.Ltmp0, $4  }
0x120: {  	v58 =	vmul.f32 v62, v52;
	v62 =	vadd.f32 $3.275117280e-01, v54;
	v1 =	vadd.f32 $3.275117280e-01, v1  }
0x121: {  	v59 =	vmul.f32 v56, v53;
	v63 =	vadd.f32 $3.275117280e-01, v5;
	v54 =	vmul.f32 v11, v39  }
0x122: {  	v61 =	vadd.f32 $3.275117280e-01, v10;
	v55 =	vmul.f32 v4, v40;
	v4 =	vmul.f32 v13, v44  }
0x123: {  	s13 =	sadd.s32 $0x8, s13;
	v56 =	vmul.f32 v18, v41;
	v60 =	vadd.f32 $3.275117280e-01, v8;
	v8 =	vadd.f32 $3.275117280e-01, v7  }
0x124: {  	v5 =	vadd.f32 $3.275117280e-01, v57;
	v6 =	vmul.f32 v62, v42;
	v1 =	vmul.f32 v1, v38  }
0x125: {  	v7 =	vadd.f32 $3.275117280e-01, v58;
	v10 =	vmul.f32 v63, v46;
	v2 =	vmul.f32 v2, v45  }
0x126: {  	v11 =	vadd.f32 $3.275117280e-01, v59;
	v13 =	vmul.f32 v61, v48;
	v3 =	vadd.f32 $-4.993339480e-01, v3  }
0x127: {  	v18 =	vadd.f32 $-4.993339480e-01, v54;
	v4 =	vadd.f32 $-4.993339480e-01, v4;
	v0 =	vmul.f32 v0, v50  }
0x128: {  	v62 =	vadd.f32 $-4.993339480e-01, v55;
	v29 =	vmul.f32 $6.931471820e-01, v29;
	v26 =	vmul.f32 $6.931471820e-01, v26  }
0x129: {  	v12 =	vmul.f32 v60, v47;
	v8 =	vmul.f32 v8, v49;
	v63 =	vadd.f32 $-4.993339480e-01, v56  }
0x12a: {  	v6 =	vadd.f32 $-4.993339480e-01, v6;
	v5 =	vmul.f32 v5, v51;
	v10 =	vadd.f32 $-4.993339480e-01, v10  }
0x12b: {  	v7 =	vmul.f32 v7, v52;
	v1 =	vadd.f32 $-4.993339480e-01, v1;
	v11 =	vmul.f32 v11, v53  }
0x12c: {  	v2 =	vadd.f32 $-4.993339480e-01, v2;
	v13 =	vadd.f32 $-4.993339480e-01, v13;
	v18 =	vmul.f32 v18, v39  }
0x12d: {  	v3 =	vmul.f32 v3, v43;
	v0 =	vadd.f32 $-4.993339480e-01, v0;
	v54 =	vmul.f32 v62, v40  }
0x12e: {  	v4 =	vmul.f32 v4, v44;
	v12 =	vadd.f32 $-4.993339480e-01, v12;
	v8 =	vadd.f32 $-4.993339480e-01, v8  }
0x12f: {  	v55 =	vmul.f32 v63, v41;
	v5 =	vadd.f32 $-4.993339480e-01, v5;
	v6 =	vmul.f32 v6, v42  }
0x130: {  	v7 =	vadd.f32 $-4.993339480e-01, v7;
	v1 =	vmul.f32 v1, v38;
	v10 =	vmul.f32 v10, v46  }
0x131: {  	v11 =	vadd.f32 $-4.993339480e-01, v11;
	v2 =	vmul.f32 v2, v45;
	v18 =	vadd.f32 $9.999702570e-01, v18  }
0x132: {  	v13 =	vmul.f32 v13, v48;
	v3 =	vadd.f32 $9.999702570e-01, v3;
	v54 =	vadd.f32 $9.999702570e-01, v54  }
0x133: {  	v0 =	vmul.f32 v0, v50;
	v4 =	vadd.f32 $9.999702570e-01, v4;
	v12 =	vmul.f32 v12, v47  }
0x134: {  	v8 =	vmul.f32 v8, v49;
	v55 =	vadd.f32 $9.999702570e-01, v55;
	v5 =	vmul.f32 v5, v51  }
0x135: {  	v6 =	vadd.f32 $9.999702570e-01, v6;
	v1 =	vadd.f32 $9.999702570e-01, v1;
	v7 =	vmul.f32 v7, v52  }
0x136: {  	v10 =	vadd.f32 $9.999702570e-01, v10;
	v2 =	vadd.f32 $9.999702570e-01, v2;
	v11 =	vmul.f32 v11, v53  }
0x137: {  	v13 =	vadd.f32 $9.999702570e-01, v13;
	v3 =	vmul.f32 v3, v43;
	v0 =	vadd.f32 $9.999702570e-01, v0  }
0x138: {  	v4 =	vmul.f32 v4, v44;
	v12 =	vadd.f32 $9.999702570e-01, v12;
	v8 =	vadd.f32 $9.999702570e-01, v8  }
0x139: {  	v44 =	vmul.f32 v55, v41;
	v6 =	vmul.f32 v6, v42;
	v5 =	vadd.f32 $9.999702570e-01, v5  }
0x13a: {  	v10 =	vmul.f32 v10, v46;
	v7 =	vadd.f32 $9.999702570e-01, v7;
	v1 =	vmul.f32 v1, v38  }
0x13b: {  	v11 =	vadd.f32 $9.999702570e-01, v11;
	v2 =	vmul.f32 v2, v45;
	v13 =	vmul.f32 v13, v48  }
0x13c: {  	v3 =	vadd.f32 $2.215976450e-07, v3;
	v4 =	vadd.f32 $2.215976450e-07, v4;
	v0 =	vmul.f32 v0, v50  }
0x13d: {  	v12 =	vmul.f32 v12, v47;
	v8 =	vmul.f32 v8, v49;
	v50 =	vadd.f32 $2.215976450e-07, v44  }
0x13e: {  	v6 =	vadd.f32 $2.215976450e-07, v6;
	v5 =	vmul.f32 v5, v51;
	v10 =	vadd.f32 $2.215976450e-07, v10  }
0x13f: {  	v1 =	vadd.f32 $2.215976450e-07, v1;
	v7 =	vmul.f32 v7, v52;
	v2 =	vadd.f32 $2.215976450e-07, v2  }
0x140: {  	v13 =	vadd.f32 $2.215976450e-07, v13;
	v0 =	vadd.f32 $2.215976450e-07, v0;
	v51 =	vmul.f32 $6.931471820e-01, v27  }
0x141: {  	v52 =	vmul.f32 $6.931471820e-01, v28;
	v27 =	vadd.f32 v3, v34;
	v28 =	vadd.f32 v4, v35  }
0x142: {  	v11 =	vmul.f32 v11, v53;
	v12 =	vadd.f32 $2.215976450e-07, v12;
	v8 =	vadd.f32 $2.215976450e-07, v8  }
0x143: {  	v18 =	vmul.f32 v18, v39;
	v33 =	vadd.f32 v50, v33;
	v5 =	vadd.f32 $2.215976450e-07, v5  }
0x144: {  	v39 =	vmul.f32 v54, v40;
	v11 =	vadd.f32 $2.215976450e-07, v11;
	v7 =	vadd.f32 $2.215976450e-07, v7  }
0x145: {  	v3 =	vmul.f32 $6.931471820e-01, v24;
	v10 =	vadd.f32 v10, v36;
	v24 =	vadd.f32 v6, v30  }
0x146: {  	v53 =	vmul.f32 $6.931471820e-01, v25;
	v25 =	vadd.f32 v1, v31;
	v2 =	vadd.f32 v2, v32  }
0x147: {  	v1 =	vmul.f32 v27, v9;
	v13 =	vadd.f32 v13, v29;
	v0 =	vadd.f32 v0, v52  }
0x148: {  	v54 =	vmul.f32 v33, v9;
	v3 =	vadd.f32 v5, v3;
	v5 =	vmul.f32 v28, v9  }
0x149: {  	v4 =	vadd.f32 v12, v37;
	v6 =	vmul.f32 v24, v9;
	v55 =	vmul.f32 v10, v9  }
0x14a: {  	v8 =	vadd.f32 v8, v51;
	v31 =	vmul.f32 v25, v9;
	v57 =	vmul.f32 v2, v9  }
0x14b: {  	v11 =	vadd.f32 v11, v26;
	v59 =	vmul.f32 v13, v9;
	v61 =	vmul.f32 v0, v9  }
0x14c: {  	v7 =	vadd.f32 v7, v53;
	v1 =	vmul.f32 $1.442695020e+00, v1;
	v56 =	vmul.f32 v4, v9  }
0x14d: {  	v58 =	vmul.f32 v8, v9;
	v60 =	vmul.f32 v3, v9  }
0x14e: {  	v62 =	vmul.f32 v11, v9;
	v63 =	vmul.f32 v7, v9  }
0x14f: {  	v5 =	vmul.f32 $1.442695020e+00, v5;
	(erf) = vpow2.f32 v1  }
0x150: {  	v35 =	vmul.f32 $1.442695020e+00, v59;
	v37 =	vmul.f32 $1.442695020e+00, v62  }
0x151: {  	v1 =	vmul.f32 $1.442695020e+00, v60;
	(erf) = vpow2.f32 v5  }
0x152: {  	v5 =	vmul.f32 $1.442695020e+00, v63;
	(erf) = vpow2.f32 v37  }
0x153: {  	v26 =	vmul.f32 $1.442695020e+00, v58;
	(erf) = vpow2.f32 v1  }
0x154: {  	v1 =	vmul.f32 $1.442695020e+00, v61;
	(erf) = vpow2.f32 v5  }
0x155: {  	v5 =	vmul.f32 $1.442695020e+00, v56;
	(erf) = vpow2.f32 v26  }
0x156: {  	v36 =	vmul.f32 $1.442695020e+00, v55;
	(erf) = vpow2.f32 v1  }
0x157: {  	v6 =	vmul.f32 $1.442695020e+00, v6;
	(erf) = vpow2.f32 v5  }
0x158: {  	v37 =	vmul.f32 $1.442695020e+00, v57;
	v1 =	vadd.f32 $2.215976450e-07, v39;
	(erf) = vpow2.f32 v35  }
0x159: {  	v39 =	vmul.f32 $1.442695020e+00, v31;
	(erf) = vpow2.f32 v36  }
0x15a: {  	v5 =	vadd.f32 $2.215976450e-07, v18;
	v38 =	vpop (erf);
	v1 =	vadd.f32 v1, v23;
	(erf) = vpow2.f32 v37  }
0x15b: {  	v40 =	vpop (erf);
	(erf) = vpow2.f32 v6;
	v6 =	vmul.f32 $1.442695020e+00, v54  }
0x15c: {  	v5 =	vadd.f32 v5, v22;
	v41 =	vmul.f32 v1, v9;
	v42 =	vpop (erf)  }
0x15d: {  	v43 =	vpop (erf);
	(erf) = vpow2.f32 v39;
	v21 =	vadd.f32 v42, v21  }
0x15e: {  	v44 =	vmul.f32 v5, v9;
	v22 =	vmul.f32 $1.442695020e+00, v41;
	v45 =	vpop (erf)  }
0x15f: {  	v20 =	vadd.f32 v43, v20;
	(erf) = vpow2.f32 v6;
	v21 =	vadd.f32 v45, v21;
	v6 =	vpop (erf)  }
0x160: {  	v23 =	vmul.f32 $1.442695020e+00, v44;
	v46 =	vpop (erf)  }
0x161: {  	(erf) = vpow2.f32 v22;
	v6 =	vadd.f32 v6, v20;
	v47 =	vpop (erf);
	v21 =	vadd.f32 v46, v21  }
0x162: {  	v48 =	vpop (erf)  }
0x163: {  	(erf) = vpow2.f32 v23;
	v6 =	vadd.f32 v47, v6;
	v49 =	vpop (erf);
	v21 =	vadd.f32 v48, v21  }
0x164: {  	v50 =	vpop (erf)  }
0x165: {  	v6 =	vadd.f32 v49, v6;
	v51 =	vpop (erf);
	v21 =	vadd.f32 v50, v21  }
0x166: {  	v52 =	vpop (erf)  }
0x167: {  	v6 =	vadd.f32 v51, v6;
	v53 =	vadd.f32 v52, v21  }
0x168: {  	v54 =	vpop (erf)  }
0x169: {  	v6 =	vadd.f32 v40, v6;
	v55 =	vadd.f32 v54, v53  }
0x16a: {  	v56 =	vpop (erf)  }
0x16b: {  	v6 =	vadd.f32 v38, v6;
	v57 =	vadd.f32 v56, v55  }
0x16c: {  	v58 =	vpop (erf)  }
0x16d: {  	v6 =	vadd.f32 v58, v6;
	v59 =	vand.u32 $0x7FFFFF, v57  }
0x16e: {  	v18 =	vor.u32 $0x3F800000, v59  }
0x16f: {  	v60 =	vand.u32 $0x7FFFFF, v6;
	v18 =	vadd.f32 $-1.000000000e+00, v18  }
0x170: {  	v32 =	vor.u32 $0x3F800000, v60  }
0x171: {  	v32 =	vadd.f32 $-1.000000000e+00, v32;
	v61 =	vmul.f32 $1.024382840e-02, v18  }
0x172: {  	v11 =	vsub.f32 v11, v3  }
0x173: {  	v62 =	vmul.f32 $1.024382840e-02, v32;
	v34 =	vadd.f32 $-5.326747890e-02, v61  }
0x174: {  	v7 =	vsub.f32 v7, v8;
	v11 =	vmul.f32 v42, v11  }
0x175: {  	v15 =	vmul.f32 v4, v15;
	v35 =	vadd.f32 $-5.326747890e-02, v62;
	v34 =	vmul.f32 v34, v18  }
0x176: {  	v0 =	vsub.f32 v0, v4;
	v4 =	vadd.f32 v11, v19;
	v7 =	vmul.f32 v45, v7  }
0x177: {  	v35 =	vmul.f32 v35, v32;
	v34 =	vadd.f32 $1.319896580e-01, v34  }
0x178: {  	v4 =	vadd.f32 v7, v4;
	v7 =	vld [tilespmem:$0x1FF70]  }
0x179: {  	v16 =	vmul.f32 v8, v16;
	v63 =	vadd.f32 $1.319896580e-01, v35;
	v8 =	vmul.f32 v34, v18  }
0x17a: {  	v14 =	vmul.f32 v10, v14;
	v10 =	vsub.f32 v13, v10;
	v0 =	vmul.f32 v46, v0  }
0x17b: {  	v3 =	vmul.f32 v3, v17;
	v17 =	vmul.f32 v63, v32;
	v8 =	vadd.f32 $-2.239668970e-01, v8  }
0x17c: {  	v2 =	vsub.f32 v2, v24;
	v0 =	vadd.f32 v0, v4;
	v4 =	vmul.f32 v48, v10  }
0x17d: {  	v3 =	vadd.f32 v3, v7;
	v7 =	vmul.f32 v8, v18;
	v8 =	vadd.f32 $-2.239668970e-01, v17  }
0x17e: {  	v10 =	vsub.f32 v25, v28;
	v0 =	vadd.f32 v4, v0;
	v2 =	vmul.f32 v50, v2  }
0x17f: {  	v7 =	vadd.f32 $3.275117280e-01, v7;
	v8 =	vmul.f32 v8, v32  }
0x180: {  	v11 =	vsub.f32 v33, v27;
	v0 =	vadd.f32 v2, v0;
	v2 =	vmul.f32 v52, v10  }
0x181: {  	v1 =	vsub.f32 v1, v5;
	v4 =	vmul.f32 v7, v18;
	v7 =	vadd.f32 $3.275117280e-01, v8  }
0x182: {  	v0 =	vadd.f32 v2, v0;
	v2 =	vmul.f32 v54, v11;
	(erf) = vrcp.f32 v57  }
0x183: {  	v4 =	vadd.f32 $-4.993339480e-01, v4;
	v7 =	vmul.f32 v7, v32  }
0x184: {  	v3 =	vadd.f32 v16, v3;
	v1 =	vmul.f32 v56, v1;
	v0 =	vadd.f32 v2, v0  }
0x185: {  	v8 =	vld [tilespmem:$0x1FF60];
	v4 =	vmul.f32 v4, v18;
	v7 =	vadd.f32 $-4.993339480e-01, v7  }
0x186: {  	v3 =	vadd.f32 v15, v3;
	v2 =	vshra.s32 v57, $0x17;
	v0 =	vadd.f32 v1, v0  }
0x187: {  	v2 =	vadd.s32 $0xFFFFFF81, v2;
	v4 =	vadd.f32 $9.999702570e-01, v4;
	v7 =	vmul.f32 v7, v32  }
0x188: {  	v3 =	vadd.f32 v14, v3;
	v1 =	vcvt.s32.f32 v2;
	v0 =	vmul.f32 v0, v9  }
0x189: {  	v2 =	vmul.f32 v4, v18;
	v4 =	vshra.s32 v6, $0x17;
	v6 =	vadd.f32 $9.999702570e-01, v7  }
0x18a: {  	v1 =	vmul.f32 $6.931471820e-01, v1;
	v8 =	vmul.f32 v24, v8;
	v4 =	vadd.s32 $0xFFFFFF81, v4  }
0x18b: {  	v10 =	vld [tilespmem:$0x1FF50];
	v7 =	vpop (erf);
	v2 =	vadd.f32 $2.215976450e-07, v2;
	v4 =	vcvt.s32.f32 v4;
	v6 =	vmul.f32 v6, v32  }
0x18c: {  	v3 =	vadd.f32 v8, v3;
	v0 =	vmul.f32 v0, v7  }
0x18d: {  	v8 =	vld [tilespmem:$0x1FF40];
	v1 =	vadd.f32 v2, v1;
	v2 =	vadd.f32 $2.215976450e-07, v6;
	v4 =	vmul.f32 $6.931471820e-01, v4;
	_ =	sdelay $0x1  }
0x18e: {  	v6 =	vld [tilespmem:$0x1FF30];
	v0 =	vsub.f32 v0, v1;
	v1 =	vadd.f32 v2, v4  }
0x18f: {  	v10 =	vmul.f32 v28, v10  }
0x190: {  	v0 =	vadd.f32 v1, v0  }
0x191: {  	v3 =	vadd.f32 v10, v3;
	v8 =	vmul.f32 v27, v8  }
0x192: {  	[tilespmem:$0x1080] =	vst v0;
	v0 =	vimm.f32 $0.0e+00  }
0x193: {  	v3 =	vadd.f32 v8, v3;
	v5 =	vmul.f32 v5, v6;
	[tilespmem:$0x10A0] =	vst v0  }
0x194: {  	[tilespmem:$0x10B0] =	vst v0  }
0x195: {  	v2 =	vadd.f32 v5, v3;
	[tilespmem:$0x10C0] =	vst v0  }
0x196: {  	[tilespmem:$0x10D0] =	vst v0  }
0x197: {  	[tilespmem:$0x10E0] =	vst v0;
	v1 =	vadd.f32 $0.0e+00, v2  }
0x198: {  	[tilespmem:$0x10F0] =	vst v0  }
0x199: {  	[tilespmem:$0x1090] =	vst v1  }
0x19a: {  	[hbm4b:s6+s2] =	stream.linear.scatter [tilespmem:s11], [sflag:$0x1], $0x80, $0x38;
	[tilespmem:$0x1100] =	vst v63  }
0x19b: {  	_ =	swait.ge [sflag:s9], $0x80  }
0x19c: {  	v5 =	vld [tilespmem:$0x1FFD0]  }
0x19d: {  	s12 =	sadd.s32 $0x1, s12;
	v6 =	vld [tilespmem:$0x1FFE0]  }
0x19e: {  	p0 =	sne.s32 s12, s7;
	v7 =	vld [tilespmem:$0x1FFF0]  }
.Ltmp1:
0x19f: {  	v4 =	vld [tilespmem:$0x1FFB0];
	(pc) =	sbr.rel @p0 .LBB2_1-.Ltmp1, $4  }
0x1a0: {  	v3 =	vld [tilespmem:$0x1FFA0]  }
0x1a1: {  	v2 =	vld [tilespmem:$0x1FF90]  }
0x1a2: {  	[sflag:s9] =	ssyncset.done $0x0;
	v1 =	vld [tilespmem:$0x1FF80]  }
0x1a3: {  	v8 =	vld [tilespmem:$0x1FFC0];
	[sflag:s9] =	ssyncadd.s32 $0xFFFFFF80  }
0x1a4: {  	_ =	sfence.sel $0x180000  }
0x1a5: {  	[bflag:$0x0] =	sbarrier.arrive $0xFFFF  }
0x1a6: {  	p0 =	sne.s32 s1, $0x0;
	_ =	strace $0x90000047  }
0x1a7: {  	s0 =	sadd.s32 @!p0 $0x100000, s0;
	[bflag:$0x2] =	sbarrier.arrive $0xFFFF  }
0x1a8: {  	[sflag:s0] =	ssyncadd.tile.s32 @!p0 $0x1;
	_ =	shalt  }
.Lfunc_end2:
_tile_overlayer_lowered:
.L_overlay_start_2:
0x1a9: {  	(tag) =	ssettag $0x2  }
0x1aa: {  	s0 =	rddreg [dreg:$0x0];
	s2 =	stileid.u32  }
0x1ab: {  	s1 =	rddreg [dreg:$0x1];
	p0 =	sne.s32 s2, $0x0  }
0x1ac: {  	s3 =	rddreg [dreg:$0x2];
	[bflag:$0x3] =	sbarrier.arrive $0xFFFF;
	s2 =	simm.s32 @!p0 $0x1C01  }
0x1ad: {  	[timem:s3], [sflag:s2] =	dma.local @!p0 [hbm:s0], s1  }
0x1ae: {  	s0 =	simm.s32 @!p0 $0x1  }
0x1af: {  	_ =	swait.ge @!p0 [sflag:s0], s1  }
0x1b0: {  	s1 =	ssub.s32 @!p0 $0x0, s1;
	[sflag:s0] =	ssyncset.done @!p0 $0x0  }
0x1b1: {  	[sflag:s0] =	ssyncadd.s32 @!p0 s1  }
0x1b2: {  	[bflag:$0x3] =	sbarrier.arrive $0xFFFF  }
0x1b3: {  	_ =	shalt  }

</sc_bundles>
